<compile_context>
chip_gen: v7x
topology: tpu7x:2x2x1
jax: 0.10.2.dev20260603
libtpu: 0.0.44.dev20260713+nightly
codegen_flags: <defaults>
</compile_context>

<pallas_src>
import functools

import jax
import jax.numpy as jnp
from jax import lax
from jax.experimental import pallas as pl
from jax.experimental.pallas import tpu as pltpu
from jax.experimental.pallas import tpu_sc as plsc

N_IMG, N_CLS, H, W = 4, 19, 512, 512
N_PIX = N_IMG * H * W
K_HARD = max(100000, int(N_PIX * 0.7))
HB = 64
N_HB = H // HB
BISECT_ITERS = 15

NW = 32
PER_W = N_PIX // NW
LANE_BINS = 32
BINS_W = 16 * LANE_BINS


def _classhist_sc_body(t_hbm, out_hbm, t_v, bins_v):
    wid = lax.axis_index("s") * 2 + lax.axis_index("c")
    base = wid * PER_W
    pltpu.sync_copy(t_hbm.at[pl.ds(base, PER_W)], t_v)
    zero = jnp.zeros((16,), jnp.float32)
    for j in range(BINS_W // 16):
        bins_v[pl.ds(j * 16, 16)] = zero
    lanes = lax.iota(jnp.int32, 16) * LANE_BINS
    ones = jnp.ones((16,), jnp.float32)

    def body(i, carry):
        t16 = t_v[pl.ds(pl.multiple_of(i * 16, 16), 16)]
        plsc.addupdate_scatter(bins_v, [lanes + t16], ones)
        return carry

    lax.fori_loop(0, PER_W // 16, body, 0)
    pltpu.sync_copy(bins_v, out_hbm.at[wid])


def _classhist_sc(tflat):
    return pl.kernel(
        _classhist_sc_body,
        out_type=jax.ShapeDtypeStruct((NW, BINS_W), jnp.float32),
        mesh=plsc.VectorSubcoreMesh(core_axis_name="c", subcore_axis_name="s"),
        scratch_types=[
            pltpu.VMEM((PER_W,), jnp.int32),
            pltpu.VMEM((BINS_W,), jnp.float32),
        ],
        compiler_params=pltpu.CompilerParams(needs_layout_passes=False),
    )(tflat)


def _ohem_body(p_ref, t_ref, hp_ref, out_ref, loss_buf, w_sm):
    n = pl.program_id(0)
    h = pl.program_id(1)

    @pl.when((n == 0) & (h == 0))
    def _():
        cnts = jnp.sum(hp_ref[...], axis=0)
        for c in range(N_CLS):
            w_sm[c] = 2.0 - cnts[c] * (1.0 / N_PIX)

    p = p_ref[0]
    t = t_ref[...]
    s = jnp.zeros((HB, W), jnp.float32)
    pt = jnp.zeros((HB, W), jnp.float32)
    wp = jnp.zeros((HB, W), jnp.float32)
    for c in range(N_CLS):
        pc = p[c]
        s = s + jnp.exp(pc)
        m = t == c
        pt = pt + jnp.where(m, pc, 0.0)
        wp = wp + jnp.where(m, w_sm[c], 0.0)
    loss = wp * (jnp.log(s) - pt)
    row = (n * N_HB + h) * HB
    loss_buf[pl.ds(row, HB), :] = loss

    @pl.when((n == N_IMG - 1) & (h == N_HB - 1))
    def _():
        lb = loss_buf[...]
        kf = jnp.float32(K_HARD)

        def it(_, carry):
            lo, hi = carry
            mid = 0.5 * (lo + hi)
            cnt = jnp.sum((lb > mid).astype(jnp.float32))
            take = cnt >= kf
            return jnp.where(take, mid, lo), jnp.where(take, hi, mid)

        lo, hi = jax.lax.fori_loop(
            0, BISECT_ITERS, it, (jnp.float32(0.0), jnp.max(lb)))
        mid = 0.5 * (lo + hi)
        msk = lb > hi
        cnt_gt = jnp.sum(msk.astype(jnp.float32))
        sum_gt = jnp.sum(jnp.where(msk, lb, 0.0))
        hard_sum = sum_gt + (kf - cnt_gt) * mid
        loss_val = hard_sum * (1.0 / (H * W)) * (1.0 / N_IMG)
        out_ref[...] = jnp.full((1, 1), loss_val, jnp.float32)


@functools.partial(jax.jit, static_argnames=("interpret",))
def _ohem(preds, target, interpret=False):
    tflat = target.reshape(N_IMG * H, W)
    if interpret:
        hist = jnp.zeros((NW, BINS_W), jnp.float32).at[0, :N_CLS].set(
            jnp.bincount(target.reshape(-1), length=N_CLS).astype(jnp.float32))
    else:
        hist = _classhist_sc(target.reshape(-1))
    hist = hist.reshape(NW * 16, LANE_BINS)
    out = pl.pallas_call(
        _ohem_body,
        grid=(N_IMG, N_HB),
        in_specs=[
            pl.BlockSpec((1, N_CLS, HB, W), lambda n, h: (n, 0, h, 0)),
            pl.BlockSpec((HB, W), lambda n, h: (n * N_HB + h, 0)),
            pl.BlockSpec((NW * 16, LANE_BINS), lambda n, h: (0, 0)),
        ],
        out_specs=pl.BlockSpec((1, 1), lambda n, h: (0, 0)),
        out_shape=jax.ShapeDtypeStruct((1, 1), jnp.float32),
        scratch_shapes=[
            pltpu.VMEM((N_IMG * H, W), jnp.float32),
            pltpu.SMEM((N_CLS,), jnp.float32),
        ],
        interpret=interpret,
    )(preds, tflat, hist)
    return out[0, 0]


def kernel(preds, target):
    return _ohem(preds, target)

# --- scband reference (transcript-rebuilt; emitter-appended) ---
"""Pipeline reference for scband-ohemcross-entropy2-d-82016695484807 (READ-ONLY COPY).

The authoritative reference and input builder live on the scoring server;
editing this copy changes nothing except your own understanding.
"""

import jax, jax.numpy as jnp
import numpy as np

IGNORE_INDEX = 255
SCORE_THRESHOLD = 0.7
MIN_KEPT = 100000
UPPER_BOUND = 1.0


def setup_inputs(seed: int = 0) -> dict:
    key = jax.random.key(seed)
    k1, k2 = jax.random.split(key)
    preds = jax.random.normal(k1, (4, 19, 512, 512), dtype=jnp.float32)
    target = jax.random.randint(k2, (4, 512, 512), 0, 19, dtype=jnp.int32)
    return {"preds": preds, "target": target}


def reference(preds, target):
    n, c, h, w = preds.shape
    tflat = target.reshape(-1)
    # batch_weight path: histogram of target over c bins (values out of [0, c-1] dropped)
    hist = jnp.bincount(tflat, length=c).astype(jnp.float32)
    hist = hist / hist.sum()
    weight = (hist != 0).astype(jnp.float32) * UPPER_BOUND * (1.0 - hist) + 1.0
    # per-pixel cross entropy, reduction='none', weighted, label_smoothing=0.0
    logp = jax.nn.log_softmax(preds, axis=1)
    nll = -jnp.take_along_axis(logp, target[:, None, :, :], axis=1)[:, 0]
    valid = tflat != IGNORE_INDEX
    safe_t = jnp.where(valid, tflat, 0)
    loss_flat = weight[safe_t] * nll.reshape(-1)
    loss_flat = jnp.where(valid, loss_flat, 0.0)
    num_valid = tflat.shape[0]
    num_hard = max(MIN_KEPT, int(num_valid * SCORE_THRESHOLD))
    num_hard = min(num_hard, num_valid)
    if num_hard < num_valid:
        masked = jnp.where(valid, loss_flat, -jnp.inf)
        top_vals, _ = jax.lax.top_k(masked, num_hard)
        hard_sum = top_vals.sum()
    else:
        hard_sum = loss_flat.sum()
    loss = hard_sum / (h * w)
    loss = loss / n
    return loss

if __name__ == "__main__":
    import jax
    _d = setup_inputs()
    print(jax.jit(kernel)(*tuple(_d.values())))

</pallas_src>

<mosaic_0001>
#map = affine_map<(d0, d1) -> (0)>
#map1 = affine_map<(d0, d1) -> (0, 0)>
module attributes {stable_mosaic.version = 14 : i64} {
  func.func @_classhist_sc_body(%arg0: i32, %arg1: i32, %arg2: memref<1048576xi32, #tpu.memory_space<hbm>>, %arg3: memref<32x512xf32, #tpu.memory_space<hbm>>, %arg4: memref<32768xi32, #tpu.memory_space<vmem>>, %arg5: memref<512xf32, #tpu.memory_space<vmem>>) attributes {dimension_semantics = [#tpu.dimension_semantics<core_parallel>, #tpu.dimension_semantics<subcore_parallel>], iteration_bounds = array<i64: 2, 16>, scalar_prefetch = 0 : i64, scratch_operands = 2 : i64, tpu.core_type = #tpu.core_type<sc_vector_subcore>, window_params = [{transform_indices = #map}, {transform_indices = #map1}]} {
    %mul3A = arith.constant 2 : i32
    %mul3A_0 = arith.muli %arg1, %mul3A : i32
    %add3A = arith.addi %mul3A_0, %arg0 : i32
    %mul3A_1 = arith.constant 32768 : i32
    %mul3A_2 = arith.muli %add3A, %mul3A_1 : i32
    "tpu.region"() ({
      %run_scoped3A = tpu.sem_alloc : memref<!tpu.dma_semaphore, #tpu.memory_space<semaphore_mem>>
      %dma_start3A = tpu.memref_slice %arg2[%mul3A_2] : memref<1048576xi32, #tpu.memory_space<hbm>> -> memref<32768xi32, #tpu.memory_space<hbm>>
      %dma_start3A_77 = tpu.memref_slice %arg2[%mul3A_2] : memref<1048576xi32, #tpu.memory_space<hbm>> -> memref<32768xi32, #tpu.memory_space<hbm>>
      tpu.enqueue_dma source(%dma_start3A_77 : memref<32768xi32, #tpu.memory_space<hbm>>) target(%arg4 : memref<32768xi32, #tpu.memory_space<vmem>>) target_semaphore(%run_scoped3A : memref<!tpu.dma_semaphore, #tpu.memory_space<semaphore_mem>>)
      %dma_wait3A = tpu.memref_slice %arg2[%mul3A_2] : memref<1048576xi32, #tpu.memory_space<hbm>> -> memref<32768xi32, #tpu.memory_space<hbm>>
      %dma_wait3A_78 = tpu.memref_slice %arg2[%mul3A_2] : memref<1048576xi32, #tpu.memory_space<hbm>> -> memref<32768xi32, #tpu.memory_space<hbm>>
      tpu.wait_dma2 semaphore(%run_scoped3A : memref<!tpu.dma_semaphore, #tpu.memory_space<semaphore_mem>>) src(%dma_wait3A_78 : memref<32768xi32, #tpu.memory_space<hbm>>) dst(%arg4 : memref<32768xi32, #tpu.memory_space<vmem>>)
      tpu.yield
    }) : () -> ()
    %broadcast_in_dim3A = arith.constant 0.000000e+00 : f32
    %broadcast_in_dim3A_3 = vector.broadcast %broadcast_in_dim3A : f32 to vector<16xf32>
    %swap3A = arith.constant 0 : index
    %swap3A_4 = tpu.vector_load %arg5[%swap3A] {strides = array<i32>} : memref<512xf32, #tpu.memory_space<vmem>>, vector<16xf32>,
    tpu.vector_store %arg5[%swap3A], %broadcast_in_dim3A_3 {strides = array<i32>} : memref<512xf32, #tpu.memory_space<vmem>>, vector<16xf32>,
    %swap3A_5 = arith.constant 16 : index
    %swap3A_6 = tpu.vector_load %arg5[%swap3A_5] {strides = array<i32>} : memref<512xf32, #tpu.memory_space<vmem>>, vector<16xf32>,
    tpu.vector_store %arg5[%swap3A_5], %broadcast_in_dim3A_3 {strides = array<i32>} : memref<512xf32, #tpu.memory_space<vmem>>, vector<16xf32>,
    %swap3A_7 = arith.constant 32 : index
    %swap3A_8 = tpu.vector_load %arg5[%swap3A_7] {strides = array<i32>} : memref<512xf32, #tpu.memory_space<vmem>>, vector<16xf32>,
    tpu.vector_store %arg5[%swap3A_7], %broadcast_in_dim3A_3 {strides = array<i32>} : memref<512xf32, #tpu.memory_space<vmem>>, vector<16xf32>,
    %swap3A_9 = arith.constant 48 : index
    %swap3A_10 = tpu.vector_load %arg5[%swap3A_9] {strides = array<i32>} : memref<512xf32, #tpu.memory_space<vmem>>, vector<16xf32>,
    tpu.vector_store %arg5[%swap3A_9], %broadcast_in_dim3A_3 {strides = array<i32>} : memref<512xf32, #tpu.memory_space<vmem>>, vector<16xf32>,
    %swap3A_11 = arith.constant 64 : index
    %swap3A_12 = tpu.vector_load %arg5[%swap3A_11] {strides = array<i32>} : memref<512xf32, #tpu.memory_space<vmem>>, vector<16xf32>,
    tpu.vector_store %arg5[%swap3A_11], %broadcast_in_dim3A_3 {strides = array<i32>} : memref<512xf32, #tpu.memory_space<vmem>>, vector<16xf32>,
    %swap3A_13 = arith.constant 80 : index
    %swap3A_14 = tpu.vector_load %arg5[%swap3A_13] {strides = array<i32>} : memref<512xf32, #tpu.memory_space<vmem>>, vector<16xf32>,
    tpu.vector_store %arg5[%swap3A_13], %broadcast_in_dim3A_3 {strides = array<i32>} : memref<512xf32, #tpu.memory_space<vmem>>, vector<16xf32>,
    %swap3A_15 = arith.constant 96 : index
    %swap3A_16 = tpu.vector_load %arg5[%swap3A_15] {strides = array<i32>} : memref<512xf32, #tpu.memory_space<vmem>>, vector<16xf32>,
    tpu.vector_store %arg5[%swap3A_15], %broadcast_in_dim3A_3 {strides = array<i32>} : memref<512xf32, #tpu.memory_space<vmem>>, vector<16xf32>,
    %swap3A_17 = arith.constant 112 : index
    %swap3A_18 = tpu.vector_load %arg5[%swap3A_17] {strides = array<i32>} : memref<512xf32, #tpu.memory_space<vmem>>, vector<16xf32>,
    tpu.vector_store %arg5[%swap3A_17], %broadcast_in_dim3A_3 {strides = array<i32>} : memref<512xf32, #tpu.memory_space<vmem>>, vector<16xf32>,
    %swap3A_19 = arith.constant 128 : index
    %swap3A_20 = tpu.vector_load %arg5[%swap3A_19] {strides = array<i32>} : memref<512xf32, #tpu.memory_space<vmem>>, vector<16xf32>,
    tpu.vector_store %arg5[%swap3A_19], %broadcast_in_dim3A_3 {strides = array<i32>} : memref<512xf32, #tpu.memory_space<vmem>>, vector<16xf32>,
    %swap3A_21 = arith.constant 144 : index
    %swap3A_22 = tpu.vector_load %arg5[%swap3A_21] {strides = array<i32>} : memref<512xf32, #tpu.memory_space<vmem>>, vector<16xf32>,
    tpu.vector_store %arg5[%swap3A_21], %broadcast_in_dim3A_3 {strides = array<i32>} : memref<512xf32, #tpu.memory_space<vmem>>, vector<16xf32>,
    %swap3A_23 = arith.constant 160 : index
    %swap3A_24 = tpu.vector_load %arg5[%swap3A_23] {strides = array<i32>} : memref<512xf32, #tpu.memory_space<vmem>>, vector<16xf32>,
    tpu.vector_store %arg5[%swap3A_23], %broadcast_in_dim3A_3 {strides = array<i32>} : memref<512xf32, #tpu.memory_space<vmem>>, vector<16xf32>,
    %swap3A_25 = arith.constant 176 : index
    %swap3A_26 = tpu.vector_load %arg5[%swap3A_25] {strides = array<i32>} : memref<512xf32, #tpu.memory_space<vmem>>, vector<16xf32>,
    tpu.vector_store %arg5[%swap3A_25], %broadcast_in_dim3A_3 {strides = array<i32>} : memref<512xf32, #tpu.memory_space<vmem>>, vector<16xf32>,
    %swap3A_27 = arith.constant 192 : index
    %swap3A_28 = tpu.vector_load %arg5[%swap3A_27] {strides = array<i32>} : memref<512xf32, #tpu.memory_space<vmem>>, vector<16xf32>,
    tpu.vector_store %arg5[%swap3A_27], %broadcast_in_dim3A_3 {strides = array<i32>} : memref<512xf32, #tpu.memory_space<vmem>>, vector<16xf32>,
    %swap3A_29 = arith.constant 208 : index
    %swap3A_30 = tpu.vector_load %arg5[%swap3A_29] {strides = array<i32>} : memref<512xf32, #tpu.memory_space<vmem>>, vector<16xf32>,
    tpu.vector_store %arg5[%swap3A_29], %broadcast_in_dim3A_3 {strides = array<i32>} : memref<512xf32, #tpu.memory_space<vmem>>, vector<16xf32>,
    %swap3A_31 = arith.constant 224 : index
    %swap3A_32 = tpu.vector_load %arg5[%swap3A_31] {strides = array<i32>} : memref<512xf32, #tpu.memory_space<vmem>>, vector<16xf32>,
    tpu.vector_store %arg5[%swap3A_31], %broadcast_in_dim3A_3 {strides = array<i32>} : memref<512xf32, #tpu.memory_space<vmem>>, vector<16xf32>,
    %swap3A_33 = arith.constant 240 : index
    %swap3A_34 = tpu.vector_load %arg5[%swap3A_33] {strides = array<i32>} : memref<512xf32, #tpu.memory_space<vmem>>, vector<16xf32>,
    tpu.vector_store %arg5[%swap3A_33], %broadcast_in_dim3A_3 {strides = array<i32>} : memref<512xf32, #tpu.memory_space<vmem>>, vector<16xf32>,
    %swap3A_35 = arith.constant 256 : index
    %swap3A_36 = tpu.vector_load %arg5[%swap3A_35] {strides = array<i32>} : memref<512xf32, #tpu.memory_space<vmem>>, vector<16xf32>,
    tpu.vector_store %arg5[%swap3A_35], %broadcast_in_dim3A_3 {strides = array<i32>} : memref<512xf32, #tpu.memory_space<vmem>>, vector<16xf32>,
    %swap3A_37 = arith.constant 272 : index
    %swap3A_38 = tpu.vector_load %arg5[%swap3A_37] {strides = array<i32>} : memref<512xf32, #tpu.memory_space<vmem>>, vector<16xf32>,
    tpu.vector_store %arg5[%swap3A_37], %broadcast_in_dim3A_3 {strides = array<i32>} : memref<512xf32, #tpu.memory_space<vmem>>, vector<16xf32>,
    %swap3A_39 = arith.constant 288 : index
    %swap3A_40 = tpu.vector_load %arg5[%swap3A_39] {strides = array<i32>} : memref<512xf32, #tpu.memory_space<vmem>>, vector<16xf32>,
    tpu.vector_store %arg5[%swap3A_39], %broadcast_in_dim3A_3 {strides = array<i32>} : memref<512xf32, #tpu.memory_space<vmem>>, vector<16xf32>,
    %swap3A_41 = arith.constant 304 : index
    %swap3A_42 = tpu.vector_load %arg5[%swap3A_41] {strides = array<i32>} : memref<512xf32, #tpu.memory_space<vmem>>, vector<16xf32>,
    tpu.vector_store %arg5[%swap3A_41], %broadcast_in_dim3A_3 {strides = array<i32>} : memref<512xf32, #tpu.memory_space<vmem>>, vector<16xf32>,
    %swap3A_43 = arith.constant 320 : index
    %swap3A_44 = tpu.vector_load %arg5[%swap3A_43] {strides = array<i32>} : memref<512xf32, #tpu.memory_space<vmem>>, vector<16xf32>,
    tpu.vector_store %arg5[%swap3A_43], %broadcast_in_dim3A_3 {strides = array<i32>} : memref<512xf32, #tpu.memory_space<vmem>>, vector<16xf32>,
    %swap3A_45 = arith.constant 336 : index
    %swap3A_46 = tpu.vector_load %arg5[%swap3A_45] {strides = array<i32>} : memref<512xf32, #tpu.memory_space<vmem>>, vector<16xf32>,
    tpu.vector_store %arg5[%swap3A_45], %broadcast_in_dim3A_3 {strides = array<i32>} : memref<512xf32, #tpu.memory_space<vmem>>, vector<16xf32>,
    %swap3A_47 = arith.constant 352 : index
    %swap3A_48 = tpu.vector_load %arg5[%swap3A_47] {strides = array<i32>} : memref<512xf32, #tpu.memory_space<vmem>>, vector<16xf32>,
    tpu.vector_store %arg5[%swap3A_47], %broadcast_in_dim3A_3 {strides = array<i32>} : memref<512xf32, #tpu.memory_space<vmem>>, vector<16xf32>,
    %swap3A_49 = arith.constant 368 : index
    %swap3A_50 = tpu.vector_load %arg5[%swap3A_49] {strides = array<i32>} : memref<512xf32, #tpu.memory_space<vmem>>, vector<16xf32>,
    tpu.vector_store %arg5[%swap3A_49], %broadcast_in_dim3A_3 {strides = array<i32>} : memref<512xf32, #tpu.memory_space<vmem>>, vector<16xf32>,
    %swap3A_51 = arith.constant 384 : index
    %swap3A_52 = tpu.vector_load %arg5[%swap3A_51] {strides = array<i32>} : memref<512xf32, #tpu.memory_space<vmem>>, vector<16xf32>,
    tpu.vector_store %arg5[%swap3A_51], %broadcast_in_dim3A_3 {strides = array<i32>} : memref<512xf32, #tpu.memory_space<vmem>>, vector<16xf32>,
    %swap3A_53 = arith.constant 400 : index
    %swap3A_54 = tpu.vector_load %arg5[%swap3A_53] {strides = array<i32>} : memref<512xf32, #tpu.memory_space<vmem>>, vector<16xf32>,
    tpu.vector_store %arg5[%swap3A_53], %broadcast_in_dim3A_3 {strides = array<i32>} : memref<512xf32, #tpu.memory_space<vmem>>, vector<16xf32>,
    %swap3A_55 = arith.constant 416 : index
    %swap3A_56 = tpu.vector_load %arg5[%swap3A_55] {strides = array<i32>} : memref<512xf32, #tpu.memory_space<vmem>>, vector<16xf32>,
    tpu.vector_store %arg5[%swap3A_55], %broadcast_in_dim3A_3 {strides = array<i32>} : memref<512xf32, #tpu.memory_space<vmem>>, vector<16xf32>,
    %swap3A_57 = arith.constant 432 : index
    %swap3A_58 = tpu.vector_load %arg5[%swap3A_57] {strides = array<i32>} : memref<512xf32, #tpu.memory_space<vmem>>, vector<16xf32>,
    tpu.vector_store %arg5[%swap3A_57], %broadcast_in_dim3A_3 {strides = array<i32>} : memref<512xf32, #tpu.memory_space<vmem>>, vector<16xf32>,
    %swap3A_59 = arith.constant 448 : index
    %swap3A_60 = tpu.vector_load %arg5[%swap3A_59] {strides = array<i32>} : memref<512xf32, #tpu.memory_space<vmem>>, vector<16xf32>,
    tpu.vector_store %arg5[%swap3A_59], %broadcast_in_dim3A_3 {strides = array<i32>} : memref<512xf32, #tpu.memory_space<vmem>>, vector<16xf32>,
    %swap3A_61 = arith.constant 464 : index
    %swap3A_62 = tpu.vector_load %arg5[%swap3A_61] {strides = array<i32>} : memref<512xf32, #tpu.memory_space<vmem>>, vector<16xf32>,
    tpu.vector_store %arg5[%swap3A_61], %broadcast_in_dim3A_3 {strides = array<i32>} : memref<512xf32, #tpu.memory_space<vmem>>, vector<16xf32>,
    %swap3A_63 = arith.constant 480 : index
    %swap3A_64 = tpu.vector_load %arg5[%swap3A_63] {strides = array<i32>} : memref<512xf32, #tpu.memory_space<vmem>>, vector<16xf32>,
    tpu.vector_store %arg5[%swap3A_63], %broadcast_in_dim3A_3 {strides = array<i32>} : memref<512xf32, #tpu.memory_space<vmem>>, vector<16xf32>,
    %swap3A_65 = arith.constant 496 : index
    %swap3A_66 = tpu.vector_load %arg5[%swap3A_65] {strides = array<i32>} : memref<512xf32, #tpu.memory_space<vmem>>, vector<16xf32>,
    tpu.vector_store %arg5[%swap3A_65], %broadcast_in_dim3A_3 {strides = array<i32>} : memref<512xf32, #tpu.memory_space<vmem>>, vector<16xf32>,
    %iota3A = tpu.iota {dimensions = array<i32: 0>} : vector<16xi32>
    %mul3A_67 = arith.constant 32 : i32
    %mul3A_68 = vector.broadcast %mul3A_67 : i32 to vector<16xi32>
    %mul3A_69 = arith.muli %iota3A, %mul3A_68 : vector<16xi32>
    %broadcast_in_dim3A_70 = arith.constant 1.000000e+00 : f32
    %broadcast_in_dim3A_71 = vector.broadcast %broadcast_in_dim3A_70 : f32 to vector<16xf32>
    %scan3A = arith.constant 0 : i32
    %scan3A_72 = arith.constant 0 : i32
    %scan3A_73 = arith.constant 2048 : i32
    %scan3A_74 = arith.addi %scan3A_72, %scan3A_73 : i32
    %scan3A_75 = arith.constant 1 : i32
    scf.for %scan3A_77 = %scan3A_72 to %scan3A_74 step %scan3A_75  : i32 {
      %mul3A_78 = arith.constant 16 : i32
      %mul3A_79 = arith.muli %scan3A_77, %mul3A_78 : i32
      %multiple_of3A = tpu.assume_multiple %mul3A_79, 16 : i32
      %get3A = arith.index_cast %multiple_of3A : i32 to index
      %get3A_80 = tpu.vector_load %arg4[%get3A] {strides = array<i32>} : memref<32768xi32, #tpu.memory_space<vmem>>, vector<16xi32>,
      %add3A_81 = arith.addi %mul3A_69, %get3A_80 : vector<16xi32>
      tpu.vector_store_idx %arg5[%add3A_81], %broadcast_in_dim3A_71 {add = true} : memref<512xf32, #tpu.memory_space<vmem>>[vector<16xi32>], vector<16xf32>,
    }
    %scan3A_76 = arith.constant 2048 : i32
    "tpu.region"() ({
      %run_scoped3A = tpu.sem_alloc : memref<!tpu.dma_semaphore, #tpu.memory_space<semaphore_mem>>
      %dma_start3A = arith.constant 0 : i32
      %dma_start3A_77 = tpu.memref_slice %arg3[%add3A, %dma_start3A] : memref<32x512xf32, #tpu.memory_space<hbm>> -> memref<1x512xf32, #tpu.memory_space<hbm>>
      %dma_start3A_78 = tpu.memref_squeeze %dma_start3A_77 : memref<1x512xf32, #tpu.memory_space<hbm>> -> memref<512xf32, #tpu.memory_space<hbm>>
      %dma_start3A_79 = arith.constant 0 : i32
      %dma_start3A_80 = tpu.memref_slice %arg3[%add3A, %dma_start3A_79] : memref<32x512xf32, #tpu.memory_space<hbm>> -> memref<1x512xf32, #tpu.memory_space<hbm>>
      %dma_start3A_81 = tpu.memref_squeeze %dma_start3A_80 : memref<1x512xf32, #tpu.memory_space<hbm>> -> memref<512xf32, #tpu.memory_space<hbm>>
      tpu.enqueue_dma source(%arg5 : memref<512xf32, #tpu.memory_space<vmem>>) target(%dma_start3A_81 : memref<512xf32, #tpu.memory_space<hbm>>) target_semaphore(%run_scoped3A : memref<!tpu.dma_semaphore, #tpu.memory_space<semaphore_mem>>)
      %dma_wait3A = arith.constant 0 : i32
      %dma_wait3A_82 = tpu.memref_slice %arg3[%add3A, %dma_wait3A] : memref<32x512xf32, #tpu.memory_space<hbm>> -> memref<1x512xf32, #tpu.memory_space<hbm>>
      %dma_wait3A_83 = tpu.memref_squeeze %dma_wait3A_82 : memref<1x512xf32, #tpu.memory_space<hbm>> -> memref<512xf32, #tpu.memory_space<hbm>>
      %dma_wait3A_84 = arith.constant 0 : i32
      %dma_wait3A_85 = tpu.memref_slice %arg3[%add3A, %dma_wait3A_84] : memref<32x512xf32, #tpu.memory_space<hbm>> -> memref<1x512xf32, #tpu.memory_space<hbm>>
      %dma_wait3A_86 = tpu.memref_squeeze %dma_wait3A_85 : memref<1x512xf32, #tpu.memory_space<hbm>> -> memref<512xf32, #tpu.memory_space<hbm>>
      tpu.wait_dma2 semaphore(%run_scoped3A : memref<!tpu.dma_semaphore, #tpu.memory_space<semaphore_mem>>) src(%arg5 : memref<512xf32, #tpu.memory_space<vmem>>) dst(%dma_wait3A_86 : memref<512xf32, #tpu.memory_space<hbm>>)
      tpu.yield
    }) : () -> ()
    return
  }
}

module attributes {stable_mosaic.version = 14 : i64} {
  func.func @_ohem_body(%arg0: i32, %arg1: i32, %arg2: memref<1x19x64x512xf32, #tpu.memory_space<vmem>>, %arg3: memref<64x512xi32, #tpu.memory_space<vmem>>, %arg4: memref<512x32xf32, #tpu.memory_space<vmem>>, %arg5: memref<1x1xf32, #tpu.memory_space<vmem>>, %arg6: memref<2048x512xf32, #tpu.memory_space<vmem>>, %arg7: memref<19xf32, #tpu.memory_space<smem>>) attributes {dimension_semantics = [#tpu.dimension_semantics<arbitrary>, #tpu.dimension_semantics<arbitrary>], iteration_bounds = array<i64: 4, 8>, scalar_prefetch = 0 : i64, scratch_operands = 2 : i64, tpu.core_type = #tpu.core_type<tc>, window_params = [{transform_indices = @transform_0, window_bounds = array<i64: 1, 19, 64, 512>}, {transform_indices = @transform_1, window_bounds = array<i64: 64, 512>}, {pipeline_mode = #tpu.pipeline_mode<synchronous>, transform_indices = @transform_2, window_bounds = array<i64: 512, 32>}, {pipeline_mode = #tpu.pipeline_mode<synchronous>, transform_indices = @transform_3, window_bounds = array<i64: 1, 1>}]} {
    %eq3A = arith.constant 0 : i32
    %eq3A_0 = arith.cmpi eq, %arg0, %eq3A : i32
    %eq3A_1 = arith.constant 0 : i32
    %eq3A_2 = arith.cmpi eq, %arg1, %eq3A_1 : i32
    %and3A = arith.andi %eq3A_0, %eq3A_2 : i1
    %convert_element_type3A = arith.extui %and3A : i1 to i32
    %cond3A = arith.constant 0 : i32
    %cond3A_3 = arith.cmpi ne, %convert_element_type3A, %cond3A : i32
    scf.if %cond3A_3 {
      %get3A_368 = arith.constant 0 : index
      %get3A_369 = arith.constant 0 : index
      %get3A_370 = vector.load %arg4[%get3A_368, %get3A_369] : memref<512x32xf32, #tpu.memory_space<vmem>>, vector<512x32xf32>
      %reduce_sum3A = arith.constant dense<0.000000e+00> : vector<32xf32>
      %reduce_sum3A_371 = vector.multi_reduction <add>, %get3A_370, %reduce_sum3A [0] : vector<512x32xf32> to vector<32xf32>
      %slice3A_372 = vector.extract_strided_slice %reduce_sum3A_371 {offsets = [0], sizes = [1], strides = [1]} : vector<32xf32> to vector<1xf32>
      %squeeze3A_373 = vector.extract %slice3A_372[0] : f32 from vector<1xf32>
      %mul3A_374 = arith.constant 9.53674316E-7 : f32
      %mul3A_375 = arith.mulf %squeeze3A_373, %mul3A_374 : f32
      %sub3A_376 = arith.constant 2.000000e+00 : f32
      %sub3A_377 = arith.subf %sub3A_376, %mul3A_375 : f32
      %swap3A_378 = arith.constant 0 : index
      %swap3A_379 = memref.load %arg7[%swap3A_378] : memref<19xf32, #tpu.memory_space<smem>>
      memref.store %sub3A_377, %arg7[%swap3A_378] : memref<19xf32, #tpu.memory_space<smem>>
      %slice3A_380 = vector.extract_strided_slice %reduce_sum3A_371 {offsets = [1], sizes = [1], strides = [1]} : vector<32xf32> to vector<1xf32>
      %squeeze3A_381 = vector.extract %slice3A_380[0] : f32 from vector<1xf32>
      %mul3A_382 = arith.constant 9.53674316E-7 : f32
      %mul3A_383 = arith.mulf %squeeze3A_381, %mul3A_382 : f32
      %sub3A_384 = arith.constant 2.000000e+00 : f32
      %sub3A_385 = arith.subf %sub3A_384, %mul3A_383 : f32
      %swap3A_386 = arith.constant 1 : index
      %swap3A_387 = memref.load %arg7[%swap3A_386] : memref<19xf32, #tpu.memory_space<smem>>
      memref.store %sub3A_385, %arg7[%swap3A_386] : memref<19xf32, #tpu.memory_space<smem>>
      %slice3A_388 = vector.extract_strided_slice %reduce_sum3A_371 {offsets = [2], sizes = [1], strides = [1]} : vector<32xf32> to vector<1xf32>
      %squeeze3A_389 = vector.extract %slice3A_388[0] : f32 from vector<1xf32>
      %mul3A_390 = arith.constant 9.53674316E-7 : f32
      %mul3A_391 = arith.mulf %squeeze3A_389, %mul3A_390 : f32
      %sub3A_392 = arith.constant 2.000000e+00 : f32
      %sub3A_393 = arith.subf %sub3A_392, %mul3A_391 : f32
      %swap3A_394 = arith.constant 2 : index
      %swap3A_395 = memref.load %arg7[%swap3A_394] : memref<19xf32, #tpu.memory_space<smem>>
      memref.store %sub3A_393, %arg7[%swap3A_394] : memref<19xf32, #tpu.memory_space<smem>>
      %slice3A_396 = vector.extract_strided_slice %reduce_sum3A_371 {offsets = [3], sizes = [1], strides = [1]} : vector<32xf32> to vector<1xf32>
      %squeeze3A_397 = vector.extract %slice3A_396[0] : f32 from vector<1xf32>
      %mul3A_398 = arith.constant 9.53674316E-7 : f32
      %mul3A_399 = arith.mulf %squeeze3A_397, %mul3A_398 : f32
      %sub3A_400 = arith.constant 2.000000e+00 : f32
      %sub3A_401 = arith.subf %sub3A_400, %mul3A_399 : f32
      %swap3A_402 = arith.constant 3 : index
      %swap3A_403 = memref.load %arg7[%swap3A_402] : memref<19xf32, #tpu.memory_space<smem>>
      memref.store %sub3A_401, %arg7[%swap3A_402] : memref<19xf32, #tpu.memory_space<smem>>
      %slice3A_404 = vector.extract_strided_slice %reduce_sum3A_371 {offsets = [4], sizes = [1], strides = [1]} : vector<32xf32> to vector<1xf32>
      %squeeze3A_405 = vector.extract %slice3A_404[0] : f32 from vector<1xf32>
      %mul3A_406 = arith.constant 9.53674316E-7 : f32
      %mul3A_407 = arith.mulf %squeeze3A_405, %mul3A_406 : f32
      %sub3A_408 = arith.constant 2.000000e+00 : f32
      %sub3A_409 = arith.subf %sub3A_408, %mul3A_407 : f32
      %swap3A_410 = arith.constant 4 : index
      %swap3A_411 = memref.load %arg7[%swap3A_410] : memref<19xf32, #tpu.memory_space<smem>>
      memref.store %sub3A_409, %arg7[%swap3A_410] : memref<19xf32, #tpu.memory_space<smem>>
      %slice3A_412 = vector.extract_strided_slice %reduce_sum3A_371 {offsets = [5], sizes = [1], strides = [1]} : vector<32xf32> to vector<1xf32>
      %squeeze3A_413 = vector.extract %slice3A_412[0] : f32 from vector<1xf32>
      %mul3A_414 = arith.constant 9.53674316E-7 : f32
      %mul3A_415 = arith.mulf %squeeze3A_413, %mul3A_414 : f32
      %sub3A_416 = arith.constant 2.000000e+00 : f32
      %sub3A_417 = arith.subf %sub3A_416, %mul3A_415 : f32
      %swap3A_418 = arith.constant 5 : index
      %swap3A_419 = memref.load %arg7[%swap3A_418] : memref<19xf32, #tpu.memory_space<smem>>
      memref.store %sub3A_417, %arg7[%swap3A_418] : memref<19xf32, #tpu.memory_space<smem>>
      %slice3A_420 = vector.extract_strided_slice %reduce_sum3A_371 {offsets = [6], sizes = [1], strides = [1]} : vector<32xf32> to vector<1xf32>
      %squeeze3A_421 = vector.extract %slice3A_420[0] : f32 from vector<1xf32>
      %mul3A_422 = arith.constant 9.53674316E-7 : f32
      %mul3A_423 = arith.mulf %squeeze3A_421, %mul3A_422 : f32
      %sub3A_424 = arith.constant 2.000000e+00 : f32
      %sub3A_425 = arith.subf %sub3A_424, %mul3A_423 : f32
      %swap3A_426 = arith.constant 6 : index
      %swap3A_427 = memref.load %arg7[%swap3A_426] : memref<19xf32, #tpu.memory_space<smem>>
      memref.store %sub3A_425, %arg7[%swap3A_426] : memref<19xf32, #tpu.memory_space<smem>>
      %slice3A_428 = vector.extract_strided_slice %reduce_sum3A_371 {offsets = [7], sizes = [1], strides = [1]} : vector<32xf32> to vector<1xf32>
      %squeeze3A_429 = vector.extract %slice3A_428[0] : f32 from vector<1xf32>
      %mul3A_430 = arith.constant 9.53674316E-7 : f32
      %mul3A_431 = arith.mulf %squeeze3A_429, %mul3A_430 : f32
      %sub3A_432 = arith.constant 2.000000e+00 : f32
      %sub3A_433 = arith.subf %sub3A_432, %mul3A_431 : f32
      %swap3A_434 = arith.constant 7 : index
      %swap3A_435 = memref.load %arg7[%swap3A_434] : memref<19xf32, #tpu.memory_space<smem>>
      memref.store %sub3A_433, %arg7[%swap3A_434] : memref<19xf32, #tpu.memory_space<smem>>
      %slice3A_436 = vector.extract_strided_slice %reduce_sum3A_371 {offsets = [8], sizes = [1], strides = [1]} : vector<32xf32> to vector<1xf32>
      %squeeze3A_437 = vector.extract %slice3A_436[0] : f32 from vector<1xf32>
      %mul3A_438 = arith.constant 9.53674316E-7 : f32
      %mul3A_439 = arith.mulf %squeeze3A_437, %mul3A_438 : f32
      %sub3A_440 = arith.constant 2.000000e+00 : f32
      %sub3A_441 = arith.subf %sub3A_440, %mul3A_439 : f32
      %swap3A_442 = arith.constant 8 : index
      %swap3A_443 = memref.load %arg7[%swap3A_442] : memref<19xf32, #tpu.memory_space<smem>>
      memref.store %sub3A_441, %arg7[%swap3A_442] : memref<19xf32, #tpu.memory_space<smem>>
      %slice3A_444 = vector.extract_strided_slice %reduce_sum3A_371 {offsets = [9], sizes = [1], strides = [1]} : vector<32xf32> to vector<1xf32>
      %squeeze3A_445 = vector.extract %slice3A_444[0] : f32 from vector<1xf32>
      %mul3A_446 = arith.constant 9.53674316E-7 : f32
      %mul3A_447 = arith.mulf %squeeze3A_445, %mul3A_446 : f32
      %sub3A_448 = arith.constant 2.000000e+00 : f32
      %sub3A_449 = arith.subf %sub3A_448, %mul3A_447 : f32
      %swap3A_450 = arith.constant 9 : index
      %swap3A_451 = memref.load %arg7[%swap3A_450] : memref<19xf32, #tpu.memory_space<smem>>
      memref.store %sub3A_449, %arg7[%swap3A_450] : memref<19xf32, #tpu.memory_space<smem>>
      %slice3A_452 = vector.extract_strided_slice %reduce_sum3A_371 {offsets = [10], sizes = [1], strides = [1]} : vector<32xf32> to vector<1xf32>
      %squeeze3A_453 = vector.extract %slice3A_452[0] : f32 from vector<1xf32>
      %mul3A_454 = arith.constant 9.53674316E-7 : f32
      %mul3A_455 = arith.mulf %squeeze3A_453, %mul3A_454 : f32
      %sub3A_456 = arith.constant 2.000000e+00 : f32
      %sub3A_457 = arith.subf %sub3A_456, %mul3A_455 : f32
      %swap3A_458 = arith.constant 10 : index
      %swap3A_459 = memref.load %arg7[%swap3A_458] : memref<19xf32, #tpu.memory_space<smem>>
      memref.store %sub3A_457, %arg7[%swap3A_458] : memref<19xf32, #tpu.memory_space<smem>>
      %slice3A_460 = vector.extract_strided_slice %reduce_sum3A_371 {offsets = [11], sizes = [1], strides = [1]} : vector<32xf32> to vector<1xf32>
      %squeeze3A_461 = vector.extract %slice3A_460[0] : f32 from vector<1xf32>
      %mul3A_462 = arith.constant 9.53674316E-7 : f32
      %mul3A_463 = arith.mulf %squeeze3A_461, %mul3A_462 : f32
      %sub3A_464 = arith.constant 2.000000e+00 : f32
      %sub3A_465 = arith.subf %sub3A_464, %mul3A_463 : f32
      %swap3A_466 = arith.constant 11 : index
      %swap3A_467 = memref.load %arg7[%swap3A_466] : memref<19xf32, #tpu.memory_space<smem>>
      memref.store %sub3A_465, %arg7[%swap3A_466] : memref<19xf32, #tpu.memory_space<smem>>
      %slice3A_468 = vector.extract_strided_slice %reduce_sum3A_371 {offsets = [12], sizes = [1], strides = [1]} : vector<32xf32> to vector<1xf32>
      %squeeze3A_469 = vector.extract %slice3A_468[0] : f32 from vector<1xf32>
      %mul3A_470 = arith.constant 9.53674316E-7 : f32
      %mul3A_471 = arith.mulf %squeeze3A_469, %mul3A_470 : f32
      %sub3A_472 = arith.constant 2.000000e+00 : f32
      %sub3A_473 = arith.subf %sub3A_472, %mul3A_471 : f32
      %swap3A_474 = arith.constant 12 : index
      %swap3A_475 = memref.load %arg7[%swap3A_474] : memref<19xf32, #tpu.memory_space<smem>>
      memref.store %sub3A_473, %arg7[%swap3A_474] : memref<19xf32, #tpu.memory_space<smem>>
      %slice3A_476 = vector.extract_strided_slice %reduce_sum3A_371 {offsets = [13], sizes = [1], strides = [1]} : vector<32xf32> to vector<1xf32>
      %squeeze3A_477 = vector.extract %slice3A_476[0] : f32 from vector<1xf32>
      %mul3A_478 = arith.constant 9.53674316E-7 : f32
      %mul3A_479 = arith.mulf %squeeze3A_477, %mul3A_478 : f32
      %sub3A_480 = arith.constant 2.000000e+00 : f32
      %sub3A_481 = arith.subf %sub3A_480, %mul3A_479 : f32
      %swap3A_482 = arith.constant 13 : index
      %swap3A_483 = memref.load %arg7[%swap3A_482] : memref<19xf32, #tpu.memory_space<smem>>
      memref.store %sub3A_481, %arg7[%swap3A_482] : memref<19xf32, #tpu.memory_space<smem>>
      %slice3A_484 = vector.extract_strided_slice %reduce_sum3A_371 {offsets = [14], sizes = [1], strides = [1]} : vector<32xf32> to vector<1xf32>
      %squeeze3A_485 = vector.extract %slice3A_484[0] : f32 from vector<1xf32>
      %mul3A_486 = arith.constant 9.53674316E-7 : f32
      %mul3A_487 = arith.mulf %squeeze3A_485, %mul3A_486 : f32
      %sub3A_488 = arith.constant 2.000000e+00 : f32
      %sub3A_489 = arith.subf %sub3A_488, %mul3A_487 : f32
      %swap3A_490 = arith.constant 14 : index
      %swap3A_491 = memref.load %arg7[%swap3A_490] : memref<19xf32, #tpu.memory_space<smem>>
      memref.store %sub3A_489, %arg7[%swap3A_490] : memref<19xf32, #tpu.memory_space<smem>>
      %slice3A_492 = vector.extract_strided_slice %reduce_sum3A_371 {offsets = [15], sizes = [1], strides = [1]} : vector<32xf32> to vector<1xf32>
      %squeeze3A_493 = vector.extract %slice3A_492[0] : f32 from vector<1xf32>
      %mul3A_494 = arith.constant 9.53674316E-7 : f32
      %mul3A_495 = arith.mulf %squeeze3A_493, %mul3A_494 : f32
      %sub3A_496 = arith.constant 2.000000e+00 : f32
      %sub3A_497 = arith.subf %sub3A_496, %mul3A_495 : f32
      %swap3A_498 = arith.constant 15 : index
      %swap3A_499 = memref.load %arg7[%swap3A_498] : memref<19xf32, #tpu.memory_space<smem>>
      memref.store %sub3A_497, %arg7[%swap3A_498] : memref<19xf32, #tpu.memory_space<smem>>
      %slice3A_500 = vector.extract_strided_slice %reduce_sum3A_371 {offsets = [16], sizes = [1], strides = [1]} : vector<32xf32> to vector<1xf32>
      %squeeze3A_501 = vector.extract %slice3A_500[0] : f32 from vector<1xf32>
      %mul3A_502 = arith.constant 9.53674316E-7 : f32
      %mul3A_503 = arith.mulf %squeeze3A_501, %mul3A_502 : f32
      %sub3A_504 = arith.constant 2.000000e+00 : f32
      %sub3A_505 = arith.subf %sub3A_504, %mul3A_503 : f32
      %swap3A_506 = arith.constant 16 : index
      %swap3A_507 = memref.load %arg7[%swap3A_506] : memref<19xf32, #tpu.memory_space<smem>>
      memref.store %sub3A_505, %arg7[%swap3A_506] : memref<19xf32, #tpu.memory_space<smem>>
      %slice3A_508 = vector.extract_strided_slice %reduce_sum3A_371 {offsets = [17], sizes = [1], strides = [1]} : vector<32xf32> to vector<1xf32>
      %squeeze3A_509 = vector.extract %slice3A_508[0] : f32 from vector<1xf32>
      %mul3A_510 = arith.constant 9.53674316E-7 : f32
      %mul3A_511 = arith.mulf %squeeze3A_509, %mul3A_510 : f32
      %sub3A_512 = arith.constant 2.000000e+00 : f32
      %sub3A_513 = arith.subf %sub3A_512, %mul3A_511 : f32
      %swap3A_514 = arith.constant 17 : index
      %swap3A_515 = memref.load %arg7[%swap3A_514] : memref<19xf32, #tpu.memory_space<smem>>
      memref.store %sub3A_513, %arg7[%swap3A_514] : memref<19xf32, #tpu.memory_space<smem>>
      %slice3A_516 = vector.extract_strided_slice %reduce_sum3A_371 {offsets = [18], sizes = [1], strides = [1]} : vector<32xf32> to vector<1xf32>
      %squeeze3A_517 = vector.extract %slice3A_516[0] : f32 from vector<1xf32>
      %mul3A_518 = arith.constant 9.53674316E-7 : f32
      %mul3A_519 = arith.mulf %squeeze3A_517, %mul3A_518 : f32
      %sub3A_520 = arith.constant 2.000000e+00 : f32
      %sub3A_521 = arith.subf %sub3A_520, %mul3A_519 : f32
      %swap3A_522 = arith.constant 18 : index
      %swap3A_523 = memref.load %arg7[%swap3A_522] : memref<19xf32, #tpu.memory_space<smem>>
      memref.store %sub3A_521, %arg7[%swap3A_522] : memref<19xf32, #tpu.memory_space<smem>>
    } else {
    }
    %get3A = arith.constant 0 : index
    %get3A_4 = arith.constant 0 : index
    %get3A_5 = arith.constant 0 : index
    %get3A_6 = arith.constant 0 : index
    %get3A_7 = vector.load %arg2[%get3A, %get3A_4, %get3A_5, %get3A_6] : memref<1x19x64x512xf32, #tpu.memory_space<vmem>>, vector<1x19x64x512xf32>
    %get3A_8 = vector.shape_cast %get3A_7 : vector<1x19x64x512xf32> to vector<19x64x512xf32>
    %get3A_9 = arith.constant 0 : index
    %get3A_10 = arith.constant 0 : index
    %get3A_11 = vector.load %arg3[%get3A_9, %get3A_10] : memref<64x512xi32, #tpu.memory_space<vmem>>, vector<64x512xi32>
    %broadcast_in_dim3A = arith.constant 0.000000e+00 : f32
    %broadcast_in_dim3A_12 = vector.broadcast %broadcast_in_dim3A : f32 to vector<64x512xf32>
    %broadcast_in_dim3A_13 = arith.constant 0.000000e+00 : f32
    %broadcast_in_dim3A_14 = vector.broadcast %broadcast_in_dim3A_13 : f32 to vector<64x512xf32>
    %broadcast_in_dim3A_15 = arith.constant 0.000000e+00 : f32
    %broadcast_in_dim3A_16 = vector.broadcast %broadcast_in_dim3A_15 : f32 to vector<64x512xf32>
    %slice3A = vector.extract_strided_slice %get3A_8 {offsets = [0, 0, 0], sizes = [1, 64, 512], strides = [1, 1, 1]} : vector<19x64x512xf32> to vector<1x64x512xf32>
    %squeeze3A = vector.shape_cast %slice3A : vector<1x64x512xf32> to vector<64x512xf32>
    %exp3A = math.exp %squeeze3A : vector<64x512xf32>
    %add3A = arith.addf %broadcast_in_dim3A_12, %exp3A : vector<64x512xf32>
    %eq3A_17 = arith.constant 0 : i32
    %eq3A_18 = vector.broadcast %eq3A_17 : i32 to vector<64x512xi32>
    %eq3A_19 = arith.cmpi eq, %get3A_11, %eq3A_18 : vector<64x512xi32>
    %jit3A = arith.constant 0.000000e+00 : f32
    %broadcast_in_dim3A_20 = vector.broadcast %jit3A : f32 to vector<64x512xf32>
    %select_n3A = arith.select %eq3A_19, %squeeze3A, %broadcast_in_dim3A_20 : vector<64x512xi1>, vector<64x512xf32>
    %add3A_21 = arith.addf %broadcast_in_dim3A_14, %select_n3A : vector<64x512xf32>
    %get3A_22 = arith.constant 0 : index
    %get3A_23 = memref.load %arg7[%get3A_22] : memref<19xf32, #tpu.memory_space<smem>>
    %jit3A_24 = arith.constant 0.000000e+00 : f32
    %broadcast_in_dim3A_25 = vector.broadcast %get3A_23 : f32 to vector<64x512xf32>
    %broadcast_in_dim3A_26 = vector.broadcast %jit3A_24 : f32 to vector<64x512xf32>
    %select_n3A_27 = arith.select %eq3A_19, %broadcast_in_dim3A_25, %broadcast_in_dim3A_26 : vector<64x512xi1>, vector<64x512xf32>
    %add3A_28 = arith.addf %broadcast_in_dim3A_16, %select_n3A_27 : vector<64x512xf32>
    %slice3A_29 = vector.extract_strided_slice %get3A_8 {offsets = [1, 0, 0], sizes = [1, 64, 512], strides = [1, 1, 1]} : vector<19x64x512xf32> to vector<1x64x512xf32>
    %squeeze3A_30 = vector.shape_cast %slice3A_29 : vector<1x64x512xf32> to vector<64x512xf32>
    %exp3A_31 = math.exp %squeeze3A_30 : vector<64x512xf32>
    %add3A_32 = arith.addf %add3A, %exp3A_31 : vector<64x512xf32>
    %eq3A_33 = arith.constant 1 : i32
    %eq3A_34 = vector.broadcast %eq3A_33 : i32 to vector<64x512xi32>
    %eq3A_35 = arith.cmpi eq, %get3A_11, %eq3A_34 : vector<64x512xi32>
    %jit3A_36 = arith.constant 0.000000e+00 : f32
    %broadcast_in_dim3A_37 = vector.broadcast %jit3A_36 : f32 to vector<64x512xf32>
    %select_n3A_38 = arith.select %eq3A_35, %squeeze3A_30, %broadcast_in_dim3A_37 : vector<64x512xi1>, vector<64x512xf32>
    %add3A_39 = arith.addf %add3A_21, %select_n3A_38 : vector<64x512xf32>
    %get3A_40 = arith.constant 1 : index
    %get3A_41 = memref.load %arg7[%get3A_40] : memref<19xf32, #tpu.memory_space<smem>>
    %jit3A_42 = arith.constant 0.000000e+00 : f32
    %broadcast_in_dim3A_43 = vector.broadcast %get3A_41 : f32 to vector<64x512xf32>
    %broadcast_in_dim3A_44 = vector.broadcast %jit3A_42 : f32 to vector<64x512xf32>
    %select_n3A_45 = arith.select %eq3A_35, %broadcast_in_dim3A_43, %broadcast_in_dim3A_44 : vector<64x512xi1>, vector<64x512xf32>
    %add3A_46 = arith.addf %add3A_28, %select_n3A_45 : vector<64x512xf32>
    %slice3A_47 = vector.extract_strided_slice %get3A_8 {offsets = [2, 0, 0], sizes = [1, 64, 512], strides = [1, 1, 1]} : vector<19x64x512xf32> to vector<1x64x512xf32>
    %squeeze3A_48 = vector.shape_cast %slice3A_47 : vector<1x64x512xf32> to vector<64x512xf32>
    %exp3A_49 = math.exp %squeeze3A_48 : vector<64x512xf32>
    %add3A_50 = arith.addf %add3A_32, %exp3A_49 : vector<64x512xf32>
    %eq3A_51 = arith.constant 2 : i32
    %eq3A_52 = vector.broadcast %eq3A_51 : i32 to vector<64x512xi32>
    %eq3A_53 = arith.cmpi eq, %get3A_11, %eq3A_52 : vector<64x512xi32>
    %jit3A_54 = arith.constant 0.000000e+00 : f32
    %broadcast_in_dim3A_55 = vector.broadcast %jit3A_54 : f32 to vector<64x512xf32>
    %select_n3A_56 = arith.select %eq3A_53, %squeeze3A_48, %broadcast_in_dim3A_55 : vector<64x512xi1>, vector<64x512xf32>
    %add3A_57 = arith.addf %add3A_39, %select_n3A_56 : vector<64x512xf32>
    %get3A_58 = arith.constant 2 : index
    %get3A_59 = memref.load %arg7[%get3A_58] : memref<19xf32, #tpu.memory_space<smem>>
    %jit3A_60 = arith.constant 0.000000e+00 : f32
    %broadcast_in_dim3A_61 = vector.broadcast %get3A_59 : f32 to vector<64x512xf32>
    %broadcast_in_dim3A_62 = vector.broadcast %jit3A_60 : f32 to vector<64x512xf32>
    %select_n3A_63 = arith.select %eq3A_53, %broadcast_in_dim3A_61, %broadcast_in_dim3A_62 : vector<64x512xi1>, vector<64x512xf32>
    %add3A_64 = arith.addf %add3A_46, %select_n3A_63 : vector<64x512xf32>
    %slice3A_65 = vector.extract_strided_slice %get3A_8 {offsets = [3, 0, 0], sizes = [1, 64, 512], strides = [1, 1, 1]} : vector<19x64x512xf32> to vector<1x64x512xf32>
    %squeeze3A_66 = vector.shape_cast %slice3A_65 : vector<1x64x512xf32> to vector<64x512xf32>
    %exp3A_67 = math.exp %squeeze3A_66 : vector<64x512xf32>
    %add3A_68 = arith.addf %add3A_50, %exp3A_67 : vector<64x512xf32>
    %eq3A_69 = arith.constant 3 : i32
    %eq3A_70 = vector.broadcast %eq3A_69 : i32 to vector<64x512xi32>
    %eq3A_71 = arith.cmpi eq, %get3A_11, %eq3A_70 : vector<64x512xi32>
    %jit3A_72 = arith.constant 0.000000e+00 : f32
    %broadcast_in_dim3A_73 = vector.broadcast %jit3A_72 : f32 to vector<64x512xf32>
    %select_n3A_74 = arith.select %eq3A_71, %squeeze3A_66, %broadcast_in_dim3A_73 : vector<64x512xi1>, vector<64x512xf32>
    %add3A_75 = arith.addf %add3A_57, %select_n3A_74 : vector<64x512xf32>
    %get3A_76 = arith.constant 3 : index
    %get3A_77 = memref.load %arg7[%get3A_76] : memref<19xf32, #tpu.memory_space<smem>>
    %jit3A_78 = arith.constant 0.000000e+00 : f32
    %broadcast_in_dim3A_79 = vector.broadcast %get3A_77 : f32 to vector<64x512xf32>
    %broadcast_in_dim3A_80 = vector.broadcast %jit3A_78 : f32 to vector<64x512xf32>
    %select_n3A_81 = arith.select %eq3A_71, %broadcast_in_dim3A_79, %broadcast_in_dim3A_80 : vector<64x512xi1>, vector<64x512xf32>
    %add3A_82 = arith.addf %add3A_64, %select_n3A_81 : vector<64x512xf32>
    %slice3A_83 = vector.extract_strided_slice %get3A_8 {offsets = [4, 0, 0], sizes = [1, 64, 512], strides = [1, 1, 1]} : vector<19x64x512xf32> to vector<1x64x512xf32>
    %squeeze3A_84 = vector.shape_cast %slice3A_83 : vector<1x64x512xf32> to vector<64x512xf32>
    %exp3A_85 = math.exp %squeeze3A_84 : vector<64x512xf32>
    %add3A_86 = arith.addf %add3A_68, %exp3A_85 : vector<64x512xf32>
    %eq3A_87 = arith.constant 4 : i32
    %eq3A_88 = vector.broadcast %eq3A_87 : i32 to vector<64x512xi32>
    %eq3A_89 = arith.cmpi eq, %get3A_11, %eq3A_88 : vector<64x512xi32>
    %jit3A_90 = arith.constant 0.000000e+00 : f32
    %broadcast_in_dim3A_91 = vector.broadcast %jit3A_90 : f32 to vector<64x512xf32>
    %select_n3A_92 = arith.select %eq3A_89, %squeeze3A_84, %broadcast_in_dim3A_91 : vector<64x512xi1>, vector<64x512xf32>
    %add3A_93 = arith.addf %add3A_75, %select_n3A_92 : vector<64x512xf32>
    %get3A_94 = arith.constant 4 : index
    %get3A_95 = memref.load %arg7[%get3A_94] : memref<19xf32, #tpu.memory_space<smem>>
    %jit3A_96 = arith.constant 0.000000e+00 : f32
    %broadcast_in_dim3A_97 = vector.broadcast %get3A_95 : f32 to vector<64x512xf32>
    %broadcast_in_dim3A_98 = vector.broadcast %jit3A_96 : f32 to vector<64x512xf32>
    %select_n3A_99 = arith.select %eq3A_89, %broadcast_in_dim3A_97, %broadcast_in_dim3A_98 : vector<64x512xi1>, vector<64x512xf32>
    %add3A_100 = arith.addf %add3A_82, %select_n3A_99 : vector<64x512xf32>
    %slice3A_101 = vector.extract_strided_slice %get3A_8 {offsets = [5, 0, 0], sizes = [1, 64, 512], strides = [1, 1, 1]} : vector<19x64x512xf32> to vector<1x64x512xf32>
    %squeeze3A_102 = vector.shape_cast %slice3A_101 : vector<1x64x512xf32> to vector<64x512xf32>
    %exp3A_103 = math.exp %squeeze3A_102 : vector<64x512xf32>
    %add3A_104 = arith.addf %add3A_86, %exp3A_103 : vector<64x512xf32>
    %eq3A_105 = arith.constant 5 : i32
    %eq3A_106 = vector.broadcast %eq3A_105 : i32 to vector<64x512xi32>
    %eq3A_107 = arith.cmpi eq, %get3A_11, %eq3A_106 : vector<64x512xi32>
    %jit3A_108 = arith.constant 0.000000e+00 : f32
    %broadcast_in_dim3A_109 = vector.broadcast %jit3A_108 : f32 to vector<64x512xf32>
    %select_n3A_110 = arith.select %eq3A_107, %squeeze3A_102, %broadcast_in_dim3A_109 : vector<64x512xi1>, vector<64x512xf32>
    %add3A_111 = arith.addf %add3A_93, %select_n3A_110 : vector<64x512xf32>
    %get3A_112 = arith.constant 5 : index
    %get3A_113 = memref.load %arg7[%get3A_112] : memref<19xf32, #tpu.memory_space<smem>>
    %jit3A_114 = arith.constant 0.000000e+00 : f32
    %broadcast_in_dim3A_115 = vector.broadcast %get3A_113 : f32 to vector<64x512xf32>
    %broadcast_in_dim3A_116 = vector.broadcast %jit3A_114 : f32 to vector<64x512xf32>
    %select_n3A_117 = arith.select %eq3A_107, %broadcast_in_dim3A_115, %broadcast_in_dim3A_116 : vector<64x512xi1>, vector<64x512xf32>
    %add3A_118 = arith.addf %add3A_100, %select_n3A_117 : vector<64x512xf32>
    %slice3A_119 = vector.extract_strided_slice %get3A_8 {offsets = [6, 0, 0], sizes = [1, 64, 512], strides = [1, 1, 1]} : vector<19x64x512xf32> to vector<1x64x512xf32>
    %squeeze3A_120 = vector.shape_cast %slice3A_119 : vector<1x64x512xf32> to vector<64x512xf32>
    %exp3A_121 = math.exp %squeeze3A_120 : vector<64x512xf32>
    %add3A_122 = arith.addf %add3A_104, %exp3A_121 : vector<64x512xf32>
    %eq3A_123 = arith.constant 6 : i32
    %eq3A_124 = vector.broadcast %eq3A_123 : i32 to vector<64x512xi32>
    %eq3A_125 = arith.cmpi eq, %get3A_11, %eq3A_124 : vector<64x512xi32>
    %jit3A_126 = arith.constant 0.000000e+00 : f32
    %broadcast_in_dim3A_127 = vector.broadcast %jit3A_126 : f32 to vector<64x512xf32>
    %select_n3A_128 = arith.select %eq3A_125, %squeeze3A_120, %broadcast_in_dim3A_127 : vector<64x512xi1>, vector<64x512xf32>
    %add3A_129 = arith.addf %add3A_111, %select_n3A_128 : vector<64x512xf32>
    %get3A_130 = arith.constant 6 : index
    %get3A_131 = memref.load %arg7[%get3A_130] : memref<19xf32, #tpu.memory_space<smem>>
    %jit3A_132 = arith.constant 0.000000e+00 : f32
    %broadcast_in_dim3A_133 = vector.broadcast %get3A_131 : f32 to vector<64x512xf32>
    %broadcast_in_dim3A_134 = vector.broadcast %jit3A_132 : f32 to vector<64x512xf32>
    %select_n3A_135 = arith.select %eq3A_125, %broadcast_in_dim3A_133, %broadcast_in_dim3A_134 : vector<64x512xi1>, vector<64x512xf32>
    %add3A_136 = arith.addf %add3A_118, %select_n3A_135 : vector<64x512xf32>
    %slice3A_137 = vector.extract_strided_slice %get3A_8 {offsets = [7, 0, 0], sizes = [1, 64, 512], strides = [1, 1, 1]} : vector<19x64x512xf32> to vector<1x64x512xf32>
    %squeeze3A_138 = vector.shape_cast %slice3A_137 : vector<1x64x512xf32> to vector<64x512xf32>
    %exp3A_139 = math.exp %squeeze3A_138 : vector<64x512xf32>
    %add3A_140 = arith.addf %add3A_122, %exp3A_139 : vector<64x512xf32>
    %eq3A_141 = arith.constant 7 : i32
    %eq3A_142 = vector.broadcast %eq3A_141 : i32 to vector<64x512xi32>
    %eq3A_143 = arith.cmpi eq, %get3A_11, %eq3A_142 : vector<64x512xi32>
    %jit3A_144 = arith.constant 0.000000e+00 : f32
    %broadcast_in_dim3A_145 = vector.broadcast %jit3A_144 : f32 to vector<64x512xf32>
    %select_n3A_146 = arith.select %eq3A_143, %squeeze3A_138, %broadcast_in_dim3A_145 : vector<64x512xi1>, vector<64x512xf32>
    %add3A_147 = arith.addf %add3A_129, %select_n3A_146 : vector<64x512xf32>
    %get3A_148 = arith.constant 7 : index
    %get3A_149 = memref.load %arg7[%get3A_148] : memref<19xf32, #tpu.memory_space<smem>>
    %jit3A_150 = arith.constant 0.000000e+00 : f32
    %broadcast_in_dim3A_151 = vector.broadcast %get3A_149 : f32 to vector<64x512xf32>
    %broadcast_in_dim3A_152 = vector.broadcast %jit3A_150 : f32 to vector<64x512xf32>
    %select_n3A_153 = arith.select %eq3A_143, %broadcast_in_dim3A_151, %broadcast_in_dim3A_152 : vector<64x512xi1>, vector<64x512xf32>
    %add3A_154 = arith.addf %add3A_136, %select_n3A_153 : vector<64x512xf32>
    %slice3A_155 = vector.extract_strided_slice %get3A_8 {offsets = [8, 0, 0], sizes = [1, 64, 512], strides = [1, 1, 1]} : vector<19x64x512xf32> to vector<1x64x512xf32>
    %squeeze3A_156 = vector.shape_cast %slice3A_155 : vector<1x64x512xf32> to vector<64x512xf32>
    %exp3A_157 = math.exp %squeeze3A_156 : vector<64x512xf32>
    %add3A_158 = arith.addf %add3A_140, %exp3A_157 : vector<64x512xf32>
    %eq3A_159 = arith.constant 8 : i32
    %eq3A_160 = vector.broadcast %eq3A_159 : i32 to vector<64x512xi32>
    %eq3A_161 = arith.cmpi eq, %get3A_11, %eq3A_160 : vector<64x512xi32>
    %jit3A_162 = arith.constant 0.000000e+00 : f32
    %broadcast_in_dim3A_163 = vector.broadcast %jit3A_162 : f32 to vector<64x512xf32>
    %select_n3A_164 = arith.select %eq3A_161, %squeeze3A_156, %broadcast_in_dim3A_163 : vector<64x512xi1>, vector<64x512xf32>
    %add3A_165 = arith.addf %add3A_147, %select_n3A_164 : vector<64x512xf32>
    %get3A_166 = arith.constant 8 : index
    %get3A_167 = memref.load %arg7[%get3A_166] : memref<19xf32, #tpu.memory_space<smem>>
    %jit3A_168 = arith.constant 0.000000e+00 : f32
    %broadcast_in_dim3A_169 = vector.broadcast %get3A_167 : f32 to vector<64x512xf32>
    %broadcast_in_dim3A_170 = vector.broadcast %jit3A_168 : f32 to vector<64x512xf32>
    %select_n3A_171 = arith.select %eq3A_161, %broadcast_in_dim3A_169, %broadcast_in_dim3A_170 : vector<64x512xi1>, vector<64x512xf32>
    %add3A_172 = arith.addf %add3A_154, %select_n3A_171 : vector<64x512xf32>
    %slice3A_173 = vector.extract_strided_slice %get3A_8 {offsets = [9, 0, 0], sizes = [1, 64, 512], strides = [1, 1, 1]} : vector<19x64x512xf32> to vector<1x64x512xf32>
    %squeeze3A_174 = vector.shape_cast %slice3A_173 : vector<1x64x512xf32> to vector<64x512xf32>
    %exp3A_175 = math.exp %squeeze3A_174 : vector<64x512xf32>
    %add3A_176 = arith.addf %add3A_158, %exp3A_175 : vector<64x512xf32>
    %eq3A_177 = arith.constant 9 : i32
    %eq3A_178 = vector.broadcast %eq3A_177 : i32 to vector<64x512xi32>
    %eq3A_179 = arith.cmpi eq, %get3A_11, %eq3A_178 : vector<64x512xi32>
    %jit3A_180 = arith.constant 0.000000e+00 : f32
    %broadcast_in_dim3A_181 = vector.broadcast %jit3A_180 : f32 to vector<64x512xf32>
    %select_n3A_182 = arith.select %eq3A_179, %squeeze3A_174, %broadcast_in_dim3A_181 : vector<64x512xi1>, vector<64x512xf32>
    %add3A_183 = arith.addf %add3A_165, %select_n3A_182 : vector<64x512xf32>
    %get3A_184 = arith.constant 9 : index
    %get3A_185 = memref.load %arg7[%get3A_184] : memref<19xf32, #tpu.memory_space<smem>>
    %jit3A_186 = arith.constant 0.000000e+00 : f32
    %broadcast_in_dim3A_187 = vector.broadcast %get3A_185 : f32 to vector<64x512xf32>
    %broadcast_in_dim3A_188 = vector.broadcast %jit3A_186 : f32 to vector<64x512xf32>
    %select_n3A_189 = arith.select %eq3A_179, %broadcast_in_dim3A_187, %broadcast_in_dim3A_188 : vector<64x512xi1>, vector<64x512xf32>
    %add3A_190 = arith.addf %add3A_172, %select_n3A_189 : vector<64x512xf32>
    %slice3A_191 = vector.extract_strided_slice %get3A_8 {offsets = [10, 0, 0], sizes = [1, 64, 512], strides = [1, 1, 1]} : vector<19x64x512xf32> to vector<1x64x512xf32>
    %squeeze3A_192 = vector.shape_cast %slice3A_191 : vector<1x64x512xf32> to vector<64x512xf32>
    %exp3A_193 = math.exp %squeeze3A_192 : vector<64x512xf32>
    %add3A_194 = arith.addf %add3A_176, %exp3A_193 : vector<64x512xf32>
    %eq3A_195 = arith.constant 10 : i32
    %eq3A_196 = vector.broadcast %eq3A_195 : i32 to vector<64x512xi32>
    %eq3A_197 = arith.cmpi eq, %get3A_11, %eq3A_196 : vector<64x512xi32>
    %jit3A_198 = arith.constant 0.000000e+00 : f32
    %broadcast_in_dim3A_199 = vector.broadcast %jit3A_198 : f32 to vector<64x512xf32>
    %select_n3A_200 = arith.select %eq3A_197, %squeeze3A_192, %broadcast_in_dim3A_199 : vector<64x512xi1>, vector<64x512xf32>
    %add3A_201 = arith.addf %add3A_183, %select_n3A_200 : vector<64x512xf32>
    %get3A_202 = arith.constant 10 : index
    %get3A_203 = memref.load %arg7[%get3A_202] : memref<19xf32, #tpu.memory_space<smem>>
    %jit3A_204 = arith.constant 0.000000e+00 : f32
    %broadcast_in_dim3A_205 = vector.broadcast %get3A_203 : f32 to vector<64x512xf32>
    %broadcast_in_dim3A_206 = vector.broadcast %jit3A_204 : f32 to vector<64x512xf32>
    %select_n3A_207 = arith.select %eq3A_197, %broadcast_in_dim3A_205, %broadcast_in_dim3A_206 : vector<64x512xi1>, vector<64x512xf32>
    %add3A_208 = arith.addf %add3A_190, %select_n3A_207 : vector<64x512xf32>
    %slice3A_209 = vector.extract_strided_slice %get3A_8 {offsets = [11, 0, 0], sizes = [1, 64, 512], strides = [1, 1, 1]} : vector<19x64x512xf32> to vector<1x64x512xf32>
    %squeeze3A_210 = vector.shape_cast %slice3A_209 : vector<1x64x512xf32> to vector<64x512xf32>
    %exp3A_211 = math.exp %squeeze3A_210 : vector<64x512xf32>
    %add3A_212 = arith.addf %add3A_194, %exp3A_211 : vector<64x512xf32>
    %eq3A_213 = arith.constant 11 : i32
    %eq3A_214 = vector.broadcast %eq3A_213 : i32 to vector<64x512xi32>
    %eq3A_215 = arith.cmpi eq, %get3A_11, %eq3A_214 : vector<64x512xi32>
    %jit3A_216 = arith.constant 0.000000e+00 : f32
    %broadcast_in_dim3A_217 = vector.broadcast %jit3A_216 : f32 to vector<64x512xf32>
    %select_n3A_218 = arith.select %eq3A_215, %squeeze3A_210, %broadcast_in_dim3A_217 : vector<64x512xi1>, vector<64x512xf32>
    %add3A_219 = arith.addf %add3A_201, %select_n3A_218 : vector<64x512xf32>
    %get3A_220 = arith.constant 11 : index
    %get3A_221 = memref.load %arg7[%get3A_220] : memref<19xf32, #tpu.memory_space<smem>>
    %jit3A_222 = arith.constant 0.000000e+00 : f32
    %broadcast_in_dim3A_223 = vector.broadcast %get3A_221 : f32 to vector<64x512xf32>
    %broadcast_in_dim3A_224 = vector.broadcast %jit3A_222 : f32 to vector<64x512xf32>
    %select_n3A_225 = arith.select %eq3A_215, %broadcast_in_dim3A_223, %broadcast_in_dim3A_224 : vector<64x512xi1>, vector<64x512xf32>
    %add3A_226 = arith.addf %add3A_208, %select_n3A_225 : vector<64x512xf32>
    %slice3A_227 = vector.extract_strided_slice %get3A_8 {offsets = [12, 0, 0], sizes = [1, 64, 512], strides = [1, 1, 1]} : vector<19x64x512xf32> to vector<1x64x512xf32>
    %squeeze3A_228 = vector.shape_cast %slice3A_227 : vector<1x64x512xf32> to vector<64x512xf32>
    %exp3A_229 = math.exp %squeeze3A_228 : vector<64x512xf32>
    %add3A_230 = arith.addf %add3A_212, %exp3A_229 : vector<64x512xf32>
    %eq3A_231 = arith.constant 12 : i32
    %eq3A_232 = vector.broadcast %eq3A_231 : i32 to vector<64x512xi32>
    %eq3A_233 = arith.cmpi eq, %get3A_11, %eq3A_232 : vector<64x512xi32>
    %jit3A_234 = arith.constant 0.000000e+00 : f32
    %broadcast_in_dim3A_235 = vector.broadcast %jit3A_234 : f32 to vector<64x512xf32>
    %select_n3A_236 = arith.select %eq3A_233, %squeeze3A_228, %broadcast_in_dim3A_235 : vector<64x512xi1>, vector<64x512xf32>
    %add3A_237 = arith.addf %add3A_219, %select_n3A_236 : vector<64x512xf32>
    %get3A_238 = arith.constant 12 : index
    %get3A_239 = memref.load %arg7[%get3A_238] : memref<19xf32, #tpu.memory_space<smem>>
    %jit3A_240 = arith.constant 0.000000e+00 : f32
    %broadcast_in_dim3A_241 = vector.broadcast %get3A_239 : f32 to vector<64x512xf32>
    %broadcast_in_dim3A_242 = vector.broadcast %jit3A_240 : f32 to vector<64x512xf32>
    %select_n3A_243 = arith.select %eq3A_233, %broadcast_in_dim3A_241, %broadcast_in_dim3A_242 : vector<64x512xi1>, vector<64x512xf32>
    %add3A_244 = arith.addf %add3A_226, %select_n3A_243 : vector<64x512xf32>
    %slice3A_245 = vector.extract_strided_slice %get3A_8 {offsets = [13, 0, 0], sizes = [1, 64, 512], strides = [1, 1, 1]} : vector<19x64x512xf32> to vector<1x64x512xf32>
    %squeeze3A_246 = vector.shape_cast %slice3A_245 : vector<1x64x512xf32> to vector<64x512xf32>
    %exp3A_247 = math.exp %squeeze3A_246 : vector<64x512xf32>
    %add3A_248 = arith.addf %add3A_230, %exp3A_247 : vector<64x512xf32>
    %eq3A_249 = arith.constant 13 : i32
    %eq3A_250 = vector.broadcast %eq3A_249 : i32 to vector<64x512xi32>
    %eq3A_251 = arith.cmpi eq, %get3A_11, %eq3A_250 : vector<64x512xi32>
    %jit3A_252 = arith.constant 0.000000e+00 : f32
    %broadcast_in_dim3A_253 = vector.broadcast %jit3A_252 : f32 to vector<64x512xf32>
    %select_n3A_254 = arith.select %eq3A_251, %squeeze3A_246, %broadcast_in_dim3A_253 : vector<64x512xi1>, vector<64x512xf32>
    %add3A_255 = arith.addf %add3A_237, %select_n3A_254 : vector<64x512xf32>
    %get3A_256 = arith.constant 13 : index
    %get3A_257 = memref.load %arg7[%get3A_256] : memref<19xf32, #tpu.memory_space<smem>>
    %jit3A_258 = arith.constant 0.000000e+00 : f32
    %broadcast_in_dim3A_259 = vector.broadcast %get3A_257 : f32 to vector<64x512xf32>
    %broadcast_in_dim3A_260 = vector.broadcast %jit3A_258 : f32 to vector<64x512xf32>
    %select_n3A_261 = arith.select %eq3A_251, %broadcast_in_dim3A_259, %broadcast_in_dim3A_260 : vector<64x512xi1>, vector<64x512xf32>
    %add3A_262 = arith.addf %add3A_244, %select_n3A_261 : vector<64x512xf32>
    %slice3A_263 = vector.extract_strided_slice %get3A_8 {offsets = [14, 0, 0], sizes = [1, 64, 512], strides = [1, 1, 1]} : vector<19x64x512xf32> to vector<1x64x512xf32>
    %squeeze3A_264 = vector.shape_cast %slice3A_263 : vector<1x64x512xf32> to vector<64x512xf32>
    %exp3A_265 = math.exp %squeeze3A_264 : vector<64x512xf32>
    %add3A_266 = arith.addf %add3A_248, %exp3A_265 : vector<64x512xf32>
    %eq3A_267 = arith.constant 14 : i32
    %eq3A_268 = vector.broadcast %eq3A_267 : i32 to vector<64x512xi32>
    %eq3A_269 = arith.cmpi eq, %get3A_11, %eq3A_268 : vector<64x512xi32>
    %jit3A_270 = arith.constant 0.000000e+00 : f32
    %broadcast_in_dim3A_271 = vector.broadcast %jit3A_270 : f32 to vector<64x512xf32>
    %select_n3A_272 = arith.select %eq3A_269, %squeeze3A_264, %broadcast_in_dim3A_271 : vector<64x512xi1>, vector<64x512xf32>
    %add3A_273 = arith.addf %add3A_255, %select_n3A_272 : vector<64x512xf32>
    %get3A_274 = arith.constant 14 : index
    %get3A_275 = memref.load %arg7[%get3A_274] : memref<19xf32, #tpu.memory_space<smem>>
    %jit3A_276 = arith.constant 0.000000e+00 : f32
    %broadcast_in_dim3A_277 = vector.broadcast %get3A_275 : f32 to vector<64x512xf32>
    %broadcast_in_dim3A_278 = vector.broadcast %jit3A_276 : f32 to vector<64x512xf32>
    %select_n3A_279 = arith.select %eq3A_269, %broadcast_in_dim3A_277, %broadcast_in_dim3A_278 : vector<64x512xi1>, vector<64x512xf32>
    %add3A_280 = arith.addf %add3A_262, %select_n3A_279 : vector<64x512xf32>
    %slice3A_281 = vector.extract_strided_slice %get3A_8 {offsets = [15, 0, 0], sizes = [1, 64, 512], strides = [1, 1, 1]} : vector<19x64x512xf32> to vector<1x64x512xf32>
    %squeeze3A_282 = vector.shape_cast %slice3A_281 : vector<1x64x512xf32> to vector<64x512xf32>
    %exp3A_283 = math.exp %squeeze3A_282 : vector<64x512xf32>
    %add3A_284 = arith.addf %add3A_266, %exp3A_283 : vector<64x512xf32>
    %eq3A_285 = arith.constant 15 : i32
    %eq3A_286 = vector.broadcast %eq3A_285 : i32 to vector<64x512xi32>
    %eq3A_287 = arith.cmpi eq, %get3A_11, %eq3A_286 : vector<64x512xi32>
    %jit3A_288 = arith.constant 0.000000e+00 : f32
    %broadcast_in_dim3A_289 = vector.broadcast %jit3A_288 : f32 to vector<64x512xf32>
    %select_n3A_290 = arith.select %eq3A_287, %squeeze3A_282, %broadcast_in_dim3A_289 : vector<64x512xi1>, vector<64x512xf32>
    %add3A_291 = arith.addf %add3A_273, %select_n3A_290 : vector<64x512xf32>
    %get3A_292 = arith.constant 15 : index
    %get3A_293 = memref.load %arg7[%get3A_292] : memref<19xf32, #tpu.memory_space<smem>>
    %jit3A_294 = arith.constant 0.000000e+00 : f32
    %broadcast_in_dim3A_295 = vector.broadcast %get3A_293 : f32 to vector<64x512xf32>
    %broadcast_in_dim3A_296 = vector.broadcast %jit3A_294 : f32 to vector<64x512xf32>
    %select_n3A_297 = arith.select %eq3A_287, %broadcast_in_dim3A_295, %broadcast_in_dim3A_296 : vector<64x512xi1>, vector<64x512xf32>
    %add3A_298 = arith.addf %add3A_280, %select_n3A_297 : vector<64x512xf32>
    %slice3A_299 = vector.extract_strided_slice %get3A_8 {offsets = [16, 0, 0], sizes = [1, 64, 512], strides = [1, 1, 1]} : vector<19x64x512xf32> to vector<1x64x512xf32>
    %squeeze3A_300 = vector.shape_cast %slice3A_299 : vector<1x64x512xf32> to vector<64x512xf32>
    %exp3A_301 = math.exp %squeeze3A_300 : vector<64x512xf32>
    %add3A_302 = arith.addf %add3A_284, %exp3A_301 : vector<64x512xf32>
    %eq3A_303 = arith.constant 16 : i32
    %eq3A_304 = vector.broadcast %eq3A_303 : i32 to vector<64x512xi32>
    %eq3A_305 = arith.cmpi eq, %get3A_11, %eq3A_304 : vector<64x512xi32>
    %jit3A_306 = arith.constant 0.000000e+00 : f32
    %broadcast_in_dim3A_307 = vector.broadcast %jit3A_306 : f32 to vector<64x512xf32>
    %select_n3A_308 = arith.select %eq3A_305, %squeeze3A_300, %broadcast_in_dim3A_307 : vector<64x512xi1>, vector<64x512xf32>
    %add3A_309 = arith.addf %add3A_291, %select_n3A_308 : vector<64x512xf32>
    %get3A_310 = arith.constant 16 : index
    %get3A_311 = memref.load %arg7[%get3A_310] : memref<19xf32, #tpu.memory_space<smem>>
    %jit3A_312 = arith.constant 0.000000e+00 : f32
    %broadcast_in_dim3A_313 = vector.broadcast %get3A_311 : f32 to vector<64x512xf32>
    %broadcast_in_dim3A_314 = vector.broadcast %jit3A_312 : f32 to vector<64x512xf32>
    %select_n3A_315 = arith.select %eq3A_305, %broadcast_in_dim3A_313, %broadcast_in_dim3A_314 : vector<64x512xi1>, vector<64x512xf32>
    %add3A_316 = arith.addf %add3A_298, %select_n3A_315 : vector<64x512xf32>
    %slice3A_317 = vector.extract_strided_slice %get3A_8 {offsets = [17, 0, 0], sizes = [1, 64, 512], strides = [1, 1, 1]} : vector<19x64x512xf32> to vector<1x64x512xf32>
    %squeeze3A_318 = vector.shape_cast %slice3A_317 : vector<1x64x512xf32> to vector<64x512xf32>
    %exp3A_319 = math.exp %squeeze3A_318 : vector<64x512xf32>
    %add3A_320 = arith.addf %add3A_302, %exp3A_319 : vector<64x512xf32>
    %eq3A_321 = arith.constant 17 : i32
    %eq3A_322 = vector.broadcast %eq3A_321 : i32 to vector<64x512xi32>
    %eq3A_323 = arith.cmpi eq, %get3A_11, %eq3A_322 : vector<64x512xi32>
    %jit3A_324 = arith.constant 0.000000e+00 : f32
    %broadcast_in_dim3A_325 = vector.broadcast %jit3A_324 : f32 to vector<64x512xf32>
    %select_n3A_326 = arith.select %eq3A_323, %squeeze3A_318, %broadcast_in_dim3A_325 : vector<64x512xi1>, vector<64x512xf32>
    %add3A_327 = arith.addf %add3A_309, %select_n3A_326 : vector<64x512xf32>
    %get3A_328 = arith.constant 17 : index
    %get3A_329 = memref.load %arg7[%get3A_328] : memref<19xf32, #tpu.memory_space<smem>>
    %jit3A_330 = arith.constant 0.000000e+00 : f32
    %broadcast_in_dim3A_331 = vector.broadcast %get3A_329 : f32 to vector<64x512xf32>
    %broadcast_in_dim3A_332 = vector.broadcast %jit3A_330 : f32 to vector<64x512xf32>
    %select_n3A_333 = arith.select %eq3A_323, %broadcast_in_dim3A_331, %broadcast_in_dim3A_332 : vector<64x512xi1>, vector<64x512xf32>
    %add3A_334 = arith.addf %add3A_316, %select_n3A_333 : vector<64x512xf32>
    %slice3A_335 = vector.extract_strided_slice %get3A_8 {offsets = [18, 0, 0], sizes = [1, 64, 512], strides = [1, 1, 1]} : vector<19x64x512xf32> to vector<1x64x512xf32>
    %squeeze3A_336 = vector.shape_cast %slice3A_335 : vector<1x64x512xf32> to vector<64x512xf32>
    %exp3A_337 = math.exp %squeeze3A_336 : vector<64x512xf32>
    %add3A_338 = arith.addf %add3A_320, %exp3A_337 : vector<64x512xf32>
    %eq3A_339 = arith.constant 18 : i32
    %eq3A_340 = vector.broadcast %eq3A_339 : i32 to vector<64x512xi32>
    %eq3A_341 = arith.cmpi eq, %get3A_11, %eq3A_340 : vector<64x512xi32>
    %jit3A_342 = arith.constant 0.000000e+00 : f32
    %broadcast_in_dim3A_343 = vector.broadcast %jit3A_342 : f32 to vector<64x512xf32>
    %select_n3A_344 = arith.select %eq3A_341, %squeeze3A_336, %broadcast_in_dim3A_343 : vector<64x512xi1>, vector<64x512xf32>
    %add3A_345 = arith.addf %add3A_327, %select_n3A_344 : vector<64x512xf32>
    %get3A_346 = arith.constant 18 : index
    %get3A_347 = memref.load %arg7[%get3A_346] : memref<19xf32, #tpu.memory_space<smem>>
    %jit3A_348 = arith.constant 0.000000e+00 : f32
    %broadcast_in_dim3A_349 = vector.broadcast %get3A_347 : f32 to vector<64x512xf32>
    %broadcast_in_dim3A_350 = vector.broadcast %jit3A_348 : f32 to vector<64x512xf32>
    %select_n3A_351 = arith.select %eq3A_341, %broadcast_in_dim3A_349, %broadcast_in_dim3A_350 : vector<64x512xi1>, vector<64x512xf32>
    %add3A_352 = arith.addf %add3A_334, %select_n3A_351 : vector<64x512xf32>
    %log3A = math.log %add3A_338 : vector<64x512xf32>
    %sub3A = arith.subf %log3A, %add3A_345 : vector<64x512xf32>
    %mul3A = arith.mulf %add3A_352, %sub3A : vector<64x512xf32>
    %mul3A_353 = arith.constant 8 : i32
    %mul3A_354 = arith.muli %arg0, %mul3A_353 : i32
    %add3A_355 = arith.addi %mul3A_354, %arg1 : i32
    %mul3A_356 = arith.constant 64 : i32
    %mul3A_357 = arith.muli %add3A_355, %mul3A_356 : i32
    %swap3A = arith.index_cast %mul3A_357 : i32 to index
    %swap3A_358 = arith.constant 0 : index
    %swap3A_359 = vector.load %arg6[%swap3A, %swap3A_358] : memref<2048x512xf32, #tpu.memory_space<vmem>>, vector<64x512xf32>
    tpu.vector_store %arg6[%swap3A, %swap3A_358], %mul3A {strides = array<i32>} : memref<2048x512xf32, #tpu.memory_space<vmem>>, vector<64x512xf32>,
    %eq3A_360 = arith.constant 3 : i32
    %eq3A_361 = arith.cmpi eq, %arg0, %eq3A_360 : i32
    %eq3A_362 = arith.constant 7 : i32
    %eq3A_363 = arith.cmpi eq, %arg1, %eq3A_362 : i32
    %and3A_364 = arith.andi %eq3A_361, %eq3A_363 : i1
    %convert_element_type3A_365 = arith.extui %and3A_364 : i1 to i32
    %cond3A_366 = arith.constant 0 : i32
    %cond3A_367 = arith.cmpi ne, %convert_element_type3A_365, %cond3A_366 : i32
    scf.if %cond3A_367 {
      %get3A_368 = arith.constant 0 : index
      %get3A_369 = arith.constant 0 : index
      %get3A_370 = vector.load %arg6[%get3A_368, %get3A_369] : memref<2048x512xf32, #tpu.memory_space<vmem>>, vector<2048x512xf32>
      %reduce_max3A = vector.shape_cast %get3A_370 : vector<2048x512xf32> to vector<1x2048x512xf32>
      %reduce_max3A_371 = arith.constant dense<0xFF800000> : vector<1xf32>
      %reduce_max3A_372 = vector.multi_reduction <maximumf>, %reduce_max3A, %reduce_max3A_371 [1, 2] : vector<1x2048x512xf32> to vector<1xf32>
      %reduce_max3A_373 = vector.shape_cast %reduce_max3A_372 : vector<1xf32> to vector<1x1x1xf32>
      %reduce_max3A_374 = vector.extract %reduce_max3A_373[0, 0, 0] : f32 from vector<1x1x1xf32>
      %scan3A = arith.constant 7.340030e+05 : f32
      %scan3A_375 = arith.constant 0.000000e+00 : f32
      %scan3A_376 = arith.constant 0 : i32
      %scan3A_377 = arith.constant 15 : i32
      %scan3A_378 = arith.addi %scan3A_376, %scan3A_377 : i32
      %scan3A_379 = arith.constant 1 : i32
      %scan3A_380:2 = scf.for %scan3A_411 = %scan3A_376 to %scan3A_378 step %scan3A_379 iter_args(%scan3A_412 = %scan3A_375, %scan3A_413 = %reduce_max3A_374) -> (f32, f32)  : i32 {
        %add3A_414 = arith.addf %scan3A_412, %scan3A_413 : f32
        %mul3A_415 = arith.constant 5.000000e-01 : f32
        %mul3A_416 = arith.mulf %mul3A_415, %add3A_414 : f32
        %gt3A_417 = vector.broadcast %mul3A_416 : f32 to vector<2048x512xf32>
        %gt3A_418 = arith.cmpf ogt, %get3A_370, %gt3A_417 : vector<2048x512xf32>
        %convert_element_type3A_419 = arith.extui %gt3A_418 : vector<2048x512xi1> to vector<2048x512xi32>
        %convert_element_type3A_420 = arith.sitofp %convert_element_type3A_419 : vector<2048x512xi32> to vector<2048x512xf32>
        %reduce_sum3A_421 = vector.shape_cast %convert_element_type3A_420 : vector<2048x512xf32> to vector<1x2048x512xf32>
        %reduce_sum3A_422 = arith.constant dense<0.000000e+00> : vector<1xf32>
        %reduce_sum3A_423 = vector.multi_reduction <add>, %reduce_sum3A_421, %reduce_sum3A_422 [1, 2] : vector<1x2048x512xf32> to vector<1xf32>
        %reduce_sum3A_424 = vector.shape_cast %reduce_sum3A_423 : vector<1xf32> to vector<1x1x1xf32>
        %reduce_sum3A_425 = vector.extract %reduce_sum3A_424[0, 0, 0] : f32 from vector<1x1x1xf32>
        %ge3A = arith.cmpf oge, %reduce_sum3A_425, %scan3A : f32
        %select_n3A_426 = arith.select %ge3A, %mul3A_416, %scan3A_412 : f32
        %select_n3A_427 = arith.select %ge3A, %scan3A_413, %mul3A_416 : f32
        scf.yield %select_n3A_426, %select_n3A_427 : f32, f32
      }
      %add3A_381 = arith.addf %scan3A_380#0, %scan3A_380#1 : f32
      %mul3A_382 = arith.constant 5.000000e-01 : f32
      %mul3A_383 = arith.mulf %mul3A_382, %add3A_381 : f32
      %gt3A = vector.broadcast %scan3A_380#1 : f32 to vector<2048x512xf32>
      %gt3A_384 = arith.cmpf ogt, %get3A_370, %gt3A : vector<2048x512xf32>
      %convert_element_type3A_385 = arith.extui %gt3A_384 : vector<2048x512xi1> to vector<2048x512xi32>
      %convert_element_type3A_386 = arith.sitofp %convert_element_type3A_385 : vector<2048x512xi32> to vector<2048x512xf32>
      %reduce_sum3A = vector.shape_cast %convert_element_type3A_386 : vector<2048x512xf32> to vector<1x2048x512xf32>
      %reduce_sum3A_387 = arith.constant dense<0.000000e+00> : vector<1xf32>
      %reduce_sum3A_388 = vector.multi_reduction <add>, %reduce_sum3A, %reduce_sum3A_387 [1, 2] : vector<1x2048x512xf32> to vector<1xf32>
      %reduce_sum3A_389 = vector.shape_cast %reduce_sum3A_388 : vector<1xf32> to vector<1x1x1xf32>
      %reduce_sum3A_390 = vector.extract %reduce_sum3A_389[0, 0, 0] : f32 from vector<1x1x1xf32>
      %jit3A_391 = arith.constant 0.000000e+00 : f32
      %broadcast_in_dim3A_392 = vector.broadcast %jit3A_391 : f32 to vector<2048x512xf32>
      %select_n3A_393 = arith.select %gt3A_384, %get3A_370, %broadcast_in_dim3A_392 : vector<2048x512xi1>, vector<2048x512xf32>
      %reduce_sum3A_394 = vector.shape_cast %select_n3A_393 : vector<2048x512xf32> to vector<1x2048x512xf32>
      %reduce_sum3A_395 = arith.constant dense<0.000000e+00> : vector<1xf32>
      %reduce_sum3A_396 = vector.multi_reduction <add>, %reduce_sum3A_394, %reduce_sum3A_395 [1, 2] : vector<1x2048x512xf32> to vector<1xf32>
      %reduce_sum3A_397 = vector.shape_cast %reduce_sum3A_396 : vector<1xf32> to vector<1x1x1xf32>
      %reduce_sum3A_398 = vector.extract %reduce_sum3A_397[0, 0, 0] : f32 from vector<1x1x1xf32>
      %sub3A_399 = arith.constant 7.340030e+05 : f32
      %sub3A_400 = arith.subf %sub3A_399, %reduce_sum3A_390 : f32
      %mul3A_401 = arith.mulf %sub3A_400, %mul3A_383 : f32
      %add3A_402 = arith.addf %reduce_sum3A_398, %mul3A_401 : f32
      %mul3A_403 = arith.constant 3.81469727E-6 : f32
      %mul3A_404 = arith.mulf %add3A_402, %mul3A_403 : f32
      %mul3A_405 = arith.constant 2.500000e-01 : f32
      %mul3A_406 = arith.mulf %mul3A_404, %mul3A_405 : f32
      %broadcast_in_dim3A_407 = vector.broadcast %mul3A_406 : f32 to vector<1x1xf32>
      %swap3A_408 = arith.constant 0 : index
      %swap3A_409 = arith.constant 0 : index
      %swap3A_410 = vector.load %arg5[%swap3A_408, %swap3A_409] : memref<1x1xf32, #tpu.memory_space<vmem>>, vector<1x1xf32>
      tpu.vector_store %arg5[%swap3A_408, %swap3A_409], %broadcast_in_dim3A_407 {strides = array<i32>} : memref<1x1xf32, #tpu.memory_space<vmem>>, vector<1x1xf32>,
    } else {
    }
    return
  }
  func.func @transform_0(%arg0: i32, %arg1: i32) -> (i32, i32, i32, i32) {
    %c0_i32 = arith.constant 0 : i32
    %c0_i32_0 = arith.constant 0 : i32
    %c0_i32_1 = arith.constant 0 : i32
    return %arg0, %c0_i32, %arg1, %c0_i32_0 : i32, i32, i32, i32
  }
  func.func @transform_1(%arg0: i32, %arg1: i32) -> (i32, i32) {
    %mul3A = arith.constant 8 : i32
    %mul3A_0 = arith.muli %arg0, %mul3A : i32
    %add3A = arith.addi %mul3A_0, %arg1 : i32
    %c0_i32 = arith.constant 0 : i32
    %c0_i32_1 = arith.constant 0 : i32
    return %add3A, %c0_i32 : i32, i32
  }
  func.func @transform_2(%arg0: i32, %arg1: i32) -> (i32, i32) {
    %c0_i32 = arith.constant 0 : i32
    %c0_i32_0 = arith.constant 0 : i32
    %c0_i32_1 = arith.constant 0 : i32
    return %c0_i32, %c0_i32_0 : i32, i32
  }
  func.func @transform_3(%arg0: i32, %arg1: i32) -> (i32, i32) {
    %c0_i32 = arith.constant 0 : i32
    %c0_i32_0 = arith.constant 0 : i32
    %c0_i32_1 = arith.constant 0 : i32
    return %c0_i32, %c0_i32_0 : i32, i32
  }
}

</mosaic_0001>

<sc_bundles>
// kernel: _ohem.4.cloned.1.call-start
scs
__scs_entry_jumppad:
0x0: {  	(pc) =	sbr.rel $0x88, $3  }
0x1: {  	(tag) =	ssettag $0x0;
	lr =	simm.s32 $0x1  }
0x2: {  	[smem:$0x3F9F] =	sst lr;
	_ =	strace $0xD0000000  }
0x3: {  	_ = 	snop  }
0x4: {  	_ = 	snop  }
0x5: {  	_ = 	snop  }
0x6: {  	_ = 	snop  }
0x7: {  	_ = 	snop  }
__scs_overlays_trampoline_lowered:
0x8: {  	[smem:$0x3FAE] =	sst s0  }
0x9: {  	[smem:$0x3FAF] =	sst s1  }
0xa: {  	[smem:$0x3FB0] =	sst s2  }
0xb: {  	[smem:$0x3FB1] =	sst s3  }
0xc: {  	[smem:$0x3FB2] =	sst s4  }
0xd: {  	[smem:$0x3FB3] =	sst s5  }
0xe: {  	[smem:$0x3FB4] =	sst s6  }
0xf: {  	[smem:$0x3FB5] =	sst s7  }
0x10: {  	[smem:$0x3FB6] =	sst s8  }
0x11: {  	[smem:$0x3FB7] =	sst s9;
	s0 =	simm.s32 @!p0 $0x0  }
0x12: {  	s1 =	sld [smem:$0x3F9D];
	s0 =	simm.s32 @p0 $0x1  }
0x13: {  	[smem:$0x3FB8] =	sst s0;
	s0 =	simm.s32 @!p1 $0x0  }
0x14: {  	s2 =	sld [smem:$0x3F9C];
	s0 =	simm.s32 @p1 $0x1  }
0x15: {  	[smem:$0x3FB9] =	sst s0;
	s0 =	simm.s32 @!p2 $0x0  }
0x16: {  	s3 =	sld [smem:$0x3FDB];
	s0 =	simm.s32 @p2 $0x1  }
0x17: {  	s4 =	simm.s32 $0x1BF5;
	[smem:$0x3FBB] =	sst s0  }
0x18: {  	s0 =	sld [smem:$0x3F9E];
	_ =	swait.ge [sflag:s4], $0x0  }
0x19: {  	s7 =	sld [smem:$0x3F9F]  }
0x1a: {  	s8 =	sadd.s32 $0xFFFFE003, lr  }
0x1b: {  	s9 =	sadd.s32 $0xFFFFFEF7, lr;
	s5 =	simm.s32 $0xFFFFFFFF;
	p2 =	slt.u32 s8, $0xFFFFF086  }
0x1c: {  	p1 =	slt.u32 s9, $0xF7A;
	s5 =	simm.s32 @!p2 $0x0  }
0x1d: {  	s5 =	simm.s32 @p1 $0x1;
	p0 =	seq.s32 s7, s2  }
0x1e: {  	s7 =	smul.u32 @!p0 $0xF7A, s2;
	p2 =	seq.s32 @!p0 s5, $0x0  }
0x1f: {  	s9 =	smul.u32 $0xF7A, s1;
	s8 =	simm.s32 @!p0 $0x1BF5;
	p2 =	por !p2, p0  }
0x20: {  	[sflag:s8] =	ssyncset.s32 @!p0 $0xFFFFF086;
	s6 =	sadd.s32 @!p0 s3, s7;
	s7 =	simm.s32 @!p0 $0x108  }
0x21: {  	s3 =	sadd.s32 s3, s9;
	s6 =	sadd.s32 @!p0 $0x88, s6;
	s7 =	simm.s32 @p2 $0x1082  }
0x22: {  	[simem:s7], [sflag:s8] =	dma.local @!p0 [hbm:s6], $0xF7A  }
0x23: {  	s9 =	sor.u32 $0xD0000000, s2;
	s6 =	simm.s32 $0x108;
	_ =	swait.ge @!p0 [sflag:s8], $0x0  }
0x24: {  	s3 =	sadd.s32 $0x88, s3;
	s6 =	simm.s32 @!p1 $0x1082;
	[sflag:s4] =	ssyncset.s32 $0xFFFFF086  }
0x25: {  	[simem:s6], [sflag:s4] =	dma.local [hbm:s3], $0xF7A  }
0x26: {  	[smem:$0x3F9F] =	sst s1;
	(tag) =	ssettag s2;
	_ =	strace s9  }
0x27: {  	s1 =	sld [smem:$0x3FAF]  }
0x28: {  	s2 =	sld [smem:$0x3FB0]  }
0x29: {  	s4 =	sld [smem:$0x3FB2]  }
0x2a: {  	p0 =	seq.s32 s5, $0x0;
	s5 =	sld [smem:$0x3FB3]  }
0x2b: {  	s6 =	sld [smem:$0x3FB4]  }
0x2c: {  	s7 =	sld [smem:$0x3FB5]  }
0x2d: {  	s3 =	simm.s32 $0x108;
	s8 =	sld [smem:$0x3FB6]  }
0x2e: {  	s3 =	simm.s32 @!p0 $0x1082;
	s9 =	sld [smem:$0x3FB7]  }
0x2f: {  	lr =	sadd.s32 s0, s3;
	s0 =	sld [smem:$0x3FAE]  }
0x30: {  	s3 =	sld [smem:$0x3FB1]  }
0x31: {  	[smem:$0x3FBA] =	sst s10  }
0x32: {  	s10 =	sld [smem:$0x3FB8];
	_ =	sdelay $0x3  }
0x33: {  	p0 =	seq.s32 s10, $0x1;
	s10 =	sld [smem:$0x3FBA];
	_ =	sdelay $0x3  }
0x34: {  	[smem:$0x3FBA] =	sst s10  }
0x35: {  	s10 =	sld [smem:$0x3FB9];
	_ =	sdelay $0x3  }
0x36: {  	p1 =	seq.s32 s10, $0x1;
	s10 =	sld [smem:$0x3FBA];
	_ =	sdelay $0x3  }
0x37: {  	[smem:$0x3FBA] =	sst s10  }
0x38: {  	s10 =	sld [smem:$0x3FBB]  }
0x39: {  	_ = 	snop;
	(pc) =	sbr.ind lr, $3  }
0x3a: {  	_ = 	snop  }
0x3b: {  	_ = 	snop  }
0x3c: {  	p2 =	seq.s32 s10, $0x1;
	s10 =	sld [smem:$0x3FBA]  }
0x3d: {  	_ =	shalt  }
0x3e: {  	_ =	shalt  }
0x3f: {  	_ =	shalt  }
0x40: {  	_ =	shalt  }
0x41: {  	_ =	shalt  }
0x42: {  	_ =	shalt  }
0x43: {  	_ =	shalt  }
0x44: {  	_ =	shalt  }
0x45: {  	_ =	shalt  }
0x46: {  	_ =	shalt  }
0x47: {  	_ =	shalt  }
0x48: {  	_ =	shalt  }
0x49: {  	_ =	shalt  }
0x4a: {  	_ =	shalt  }
0x4b: {  	_ =	shalt  }
0x4c: {  	_ =	shalt  }
0x4d: {  	_ =	shalt  }
0x4e: {  	_ =	shalt  }
0x4f: {  	_ =	shalt  }
0x50: {  	_ =	shalt  }
0x51: {  	_ =	shalt  }
0x52: {  	_ =	shalt  }
0x53: {  	_ =	shalt  }
0x54: {  	_ =	shalt  }
0x55: {  	_ =	shalt  }
0x56: {  	_ =	shalt  }
0x57: {  	_ =	shalt  }
0x58: {  	_ =	shalt  }
0x59: {  	_ =	shalt  }
0x5a: {  	_ =	shalt  }
0x5b: {  	_ =	shalt  }
0x5c: {  	_ =	shalt  }
0x5d: {  	_ =	shalt  }
0x5e: {  	_ =	shalt  }
0x5f: {  	_ =	shalt  }
0x60: {  	_ =	shalt  }
0x61: {  	_ =	shalt  }
0x62: {  	_ =	shalt  }
0x63: {  	_ =	shalt  }
0x64: {  	_ =	shalt  }
0x65: {  	_ =	shalt  }
0x66: {  	_ =	shalt  }
0x67: {  	_ =	shalt  }
0x68: {  	_ =	shalt  }
0x69: {  	_ =	shalt  }
0x6a: {  	_ =	shalt  }
0x6b: {  	_ =	shalt  }
0x6c: {  	_ =	shalt  }
0x6d: {  	_ =	shalt  }
0x6e: {  	_ =	shalt  }
0x6f: {  	_ =	shalt  }
0x70: {  	_ =	shalt  }
0x71: {  	_ =	shalt  }
0x72: {  	_ =	shalt  }
0x73: {  	_ =	shalt  }
0x74: {  	_ =	shalt  }
0x75: {  	_ =	shalt  }
0x76: {  	_ =	shalt  }
0x77: {  	_ =	shalt  }
0x78: {  	_ =	shalt  }
0x79: {  	_ =	shalt  }
0x7a: {  	_ =	shalt  }
0x7b: {  	_ =	shalt  }
0x7c: {  	_ =	shalt  }
0x7d: {  	_ =	shalt  }
0x7e: {  	_ =	shalt  }
0x7f: {  	_ =	shalt  }
0x80: {  	_ =	shalt  }
0x81: {  	_ =	shalt  }
0x82: {  	_ =	shalt  }
0x83: {  	_ =	shalt  }
0x84: {  	_ =	shalt  }
0x85: {  	_ =	shalt  }
0x86: {  	_ =	shalt  }
0x87: {  	_ =	shalt  }
.Lfunc_end0:
.L_simem_size_0:
called_computation_lowered:
.L_overlay_start_0:
0x88: {  	s2 =	sld [smem:$0x3FD9]  }
0x89: {  	s3 =	sld [smem:$0x3FFE];
	_ =	sdelay $0x1  }
0x8a: {  	s1 =	srdreg.scid  }
0x8b: {  	s0 =	sand.u32 $0x1, s1  }
0x8c: {  	s16 =	sshll.u32 s0, $0xA;
	s2 =	sadd.s32 s3, s2  }
0x8d: {  	s2 =	sadd.s32 s2, s16  }
0x8e: {  	[smem:$0x3FC6] =	sst s2  }
0x8f: {  	_ = 	snop  }
0x90: {  	(tm) =	ssettm $0x1  }
0x91: {  	s17 =	sld [smem:$0x3FFB];
	_ =	sdelay $0x3  }
0x92: {  	_ =	strace s17  }
0x93: {  	s2 =	sld [smem:$0x3FFC];
	_ =	sdelay $0x3  }
0x94: {  	_ =	strace s2  }
0x95: {  	s2 =	sld [smem:$0x3FFD];
	_ =	sdelay $0x3  }
0x96: {  	_ =	strace s2  }
0x97: {  	_ =	strace $0x8FFFFFFF  }
0x98: {  	s18 =	sld [smem:$0x3FDB];
	_ =	sdelay $0x1  }
0x99: {  	s19 =	simm.s32 $_scs_section_size  }
0x9a: {  	s4 =	simm.s32 $_size__tile_overlayer_lowered;
	s5 =	simm.s32 $_tile_overlayer_lowered  }
0x9b: {  	s22 =	simm.s32 $0x1BFF;
	s21 =	sshll.u32 s5, $0x1;
	s2 =	sadd.s32 s19, s18  }
0x9c: {  	s6 =	simm.s32 $0x0;
	s20 =	sshll.u32 s4, $0x1;
	s4 =	sadd.s32 s21, s2  }
0x9d: {  	[timem:s6], [sflag:s22] =	dma.local [hbm:s4], s20  }
0x9e: {  	_ =	swait.ge [sflag:s22], s20  }
0x9f: {  	s3 =	ssub.s32 $0x0, s20;
	[sflag:s22] =	ssyncset.done $0x0  }
0xa0: {  	[sflag:s22] =	ssyncadd.s32 s3;
	_ =	sdelay $0x1  }
0xa1: {  	s23 =	simm.s32 $0x1B8B  }
0xa2: {  	_ =	swait.ge [sflag:s23], $0x1  }
0xa3: {  	[sflag:s23] =	ssyncset.done $0x0  }
0xa4: {  	s25 =	simm.s32 $0x1B8E;
	s24 =	sld [smem:$0x3FFE];
	[sflag:s23] =	ssyncadd.s32 $0xFFFFFFFF  }
0xa5: {  	s26 =	simm.s32 $execute0_lowered;
	[smem:$0x3FD2] =	sst s25  }
0xa6: {  	s4 =	sshll.u32 s26, $0x1;
	_ =	strace $0x80000046;
	[dreg:$0x1] =	wrdreg $0xFFFFFFFF  }
0xa7: {  	s28 =	simm.s32 $_size_execute0_lowered;
	s2 =	sadd.s32 s2, s4;
	[dreg:$0x0] =	wrdreg $0x0  }
0xa8: {  	s4 =	sshll.u32 s28, $0x1;
	[dreg:$0x2] =	wrdreg s2  }
0xa9: {  	[dreg:$0x3] =	wrdreg s4  }
0xaa: {  	[dreg:$0x4] =	wrdreg $0xC0  }
0xab: {  	_ =	task [dreg:s6], $0x5FFFF  }
0xac: {  	[dreg:$0x1] =	wrdreg $0xFFFFFFFF  }
0xad: {  	[dreg:$0x0] =	wrdreg $0x60  }
0xae: {  	[dreg:$0x2] =	wrdreg s24  }
0xaf: {  	[dreg:$0x3] =	wrdreg $0x9  }
0xb0: {  	_ =	task.clear_ibuf [dreg:s6], $0x4FFFF;
	_ =	strace $0x90000046  }
0xb1: {  	s29 =	simm.s32 $0x9;
	_ =	strace $0x80000048  }
0xb2: {  	_ =	swait.ge [sflag:s29], $0x1  }
0xb3: {  	[sflag:s29] =	ssyncadd.s32 $0xFFFFFFFF  }
0xb4: {  	_ =	strace $0x90000048  }
0xb5: {  	_ =	sfence  }
0xb6: {  	s30 =	sld [smem:$0x0];
	_ =	sdelay $0x2  }
0xb7: {  	s31 =	sshll.u32 s1, $0xD;
	s1 =	sshrl.u32 s1, $0x2  }
0xb8: {  	s3 =	sand.u32 $0x4000, s31;
	s1 =	sadd.s32 s1, s30  }
0xb9: {  	s0 =	sor.u32 s3, s0;
	s1 =	sshll.u32 s1, $0x11  }
0xba: {  	s0 =	sor.u32 s1, s0  }
0xbb: {  	s0 =	sadd.s32 $0x8F2B, s0  }
0xbc: {  	[sflag:s0] =	ssyncadd.remote.s32 $0x1  }
0xbd: {  	_ =	sfence.sel $0xFFFF  }
0xbe: {  	[dreg:$0x0] =	wrdreg $0xFFFFFFFF;
	(pc) =	sbr.abs _section_cstart, $3  }
0xbf: {  	[dreg:$0x1] =	wrdreg $0xFFFFFFFF  }
0xc0: {  	_ =	task.clear_ibuf [dreg:s6], $0x2FFFF;
	_ =	strace $0x9FFFFFFF  }
0xc1: {  	(tm) =	ssettm $0x7FFFFFFF  }
tec
execute0_lowered:
.L_overlay_start_1:
0x0: {  	(tag) =	ssettag $0x1  }
0x1: {  	s3 =	rddreg [dreg:$0x0]  }
0x2: {  	s0 =	rddreg [dreg:$0x1]  }
0x3: {  	s2 =	simm.s32 $0x0;
	s4 =	srdreg.scid;
	s1 =	stileid.u32  }
0x4: {  	s8 =	simm.s32 $0x80;
	s9 =	simm.s32 $0x400;
	s10 =	simm.s32 $0x0  }
0x5: {  	[smem:$0x7FF] =	sst s2;
	s4 =	sand.u32 $0x1, s4;
	s5 =	sshll.u32 s1, $0x1  }
0x6: {  	s6 =	sshll.u32 s1, $0x7;
	_ =	strace $0x80000047;
	s5 =	sor.u32 s4, s5  }
0x7: {  	s6 =	sand.u32 $0x600, s6;
	s4 =	ssub.s32 $0x2, s4;
	s7 =	sshll.u32 s5, $0xC  }
0x8: {  	s5 =	sshll.u32 s5, $0x4;
	s6 =	sadd.s32 s6, s3;
	s30 =	sshrl.u32 s4, $0x1  }
0x9: {  	s5 =	sand.u32 $0x70, s5;
	s3 =	sadd.s32 s7, s3;
	s31 =	ssub.s32 s4, s30  }
0xa: {  	v1 =	vlaneseq.u32;
	s7 =	simm.s32 $0x8000;
	s5 =	sadd.s32 s5, s6;
	s3 =	sadd.s32 $0x600, s3  }
0xb: {  	v0 =	vimm.f32 $0.0e+00;
	v2 =	vimm.f32 $1.000000000e+00;
	v1 =	vmul.u32 $0x20, v1;
	s6 =	simm.s32 $0x1;
	s4 =	sadd.s32 $0x20600, s5;
	s5 =	smax.u32 s31, $0x1  }
.LBB2_1:
0xc: {  	[tilespmem:s2], [sflag:$0x1] =	stream.linear.gather [hbm4b:s3+s2], $0x8000, $0x38;
	[tilespmem:$0x8200] =	vst v63  }
0xd: {  	_ =	swait.ge [sflag:s6], $0x8000  }
0xe: {  	[sflag:s6] =	ssyncset.done $0x0  }
0xf: {  	[sflag:s6] =	ssyncadd.s32 $0xFFFF8000  }
0x10: {  	[tilespmem:$0x8000] =	vst v0  }
0x11: {  	[tilespmem:$0x8010] =	vst v0  }
0x12: {  	[tilespmem:$0x8020] =	vst v0  }
0x13: {  	[tilespmem:$0x8030] =	vst v0  }
0x14: {  	[tilespmem:$0x8040] =	vst v0  }
0x15: {  	[tilespmem:$0x8050] =	vst v0  }
0x16: {  	[tilespmem:$0x8060] =	vst v0  }
0x17: {  	[tilespmem:$0x8070] =	vst v0  }
0x18: {  	[tilespmem:$0x8080] =	vst v0  }
0x19: {  	[tilespmem:$0x8090] =	vst v0  }
0x1a: {  	[tilespmem:$0x80A0] =	vst v0  }
0x1b: {  	[tilespmem:$0x80B0] =	vst v0  }
0x1c: {  	[tilespmem:$0x80C0] =	vst v0  }
0x1d: {  	[tilespmem:$0x80D0] =	vst v0  }
0x1e: {  	[tilespmem:$0x80E0] =	vst v0  }
0x1f: {  	[tilespmem:$0x80F0] =	vst v0  }
0x20: {  	[tilespmem:$0x8100] =	vst v0  }
0x21: {  	[tilespmem:$0x8110] =	vst v0  }
0x22: {  	[tilespmem:$0x8120] =	vst v0  }
0x23: {  	[tilespmem:$0x8130] =	vst v0  }
0x24: {  	[tilespmem:$0x8140] =	vst v0  }
0x25: {  	[tilespmem:$0x8150] =	vst v0  }
0x26: {  	[tilespmem:$0x8160] =	vst v0  }
0x27: {  	[tilespmem:$0x8170] =	vst v0  }
0x28: {  	[tilespmem:$0x8180] =	vst v0  }
0x29: {  	[tilespmem:$0x8190] =	vst v0  }
0x2a: {  	[tilespmem:$0x81A0] =	vst v0  }
0x2b: {  	[tilespmem:$0x81B0] =	vst v0  }
0x2c: {  	[tilespmem:$0x81C0] =	vst v0  }
0x2d: {  	[tilespmem:$0x81D0] =	vst v0  }
0x2e: {  	[tilespmem:$0x81E0] =	vst v0  }
0x2f: {  	s12 =	simm.s32 $0x0;
	s11 =	simm.s32 $0x40;
	[tilespmem:$0x81F0] =	vst v0  }
.LBB2_2:
0x30: {  	p0 =	sne.s32 s11, $0x1FFC0;
	v3 =	vld [tilespmem:s12+$0x0];
	_ =	sdelay $0x4  }
0x31: {  	v3 =	vadd.s32 v1, v3  }
.Ltmp0:
0x32: {  	(pc) =	sbr.rel @p0 .LBB2_2-.Ltmp0, $2  }
0x33: {  	_ =	sdelay $0x2  }
0x34: {  	s12 =	sshra.s32 s11, $0x2;
	s11 =	sadd.s32 $0x40, s11;
	[tilespmem:v3+s7+$0x0] =	vst.idx.add.f32.msk $0xffff, v2  }
0x35: {  	v3 =	vld [tilespmem:s12+$0x0];
	_ =	sdelay $0x4  }
0x36: {  	v3 =	vadd.s32 v1, v3;
	_ =	sdelay $0x2  }
0x37: {  	s10 =	sadd.s32 $0x1, s10  }
0x38: {  	p0 =	sne.s32 s10, s5  }
.Ltmp1:
0x39: {  	[tilespmem:v3+s7+$0x0] =	vst.idx.add.f32.msk $0xffff, v2;
	(pc) =	sbr.rel @p0 .LBB2_1-.Ltmp1, $4  }
0x3a: {  	[hbm4b:s4+s8] =	stream.strided.scatter [tilespmem:s7], [sflag:$0x1], $0x200, s9, s8, $0x38;
	[tilespmem:$0x8200] =	vst v63  }
0x3b: {  	_ =	swait.ge [sflag:s6], $0x200  }
0x3c: {  	[sflag:s6] =	ssyncset.done $0x0  }
0x3d: {  	[sflag:s6] =	ssyncadd.s32 $0xFFFFFE00  }
0x3e: {  	_ =	sfence.sel $0x180000  }
0x3f: {  	[bflag:$0x0] =	sbarrier.arrive $0xFFFF  }
0x40: {  	p0 =	sne.s32 s1, $0x0;
	_ =	strace $0x90000047  }
0x41: {  	s0 =	sadd.s32 @!p0 $0x100000, s0;
	[bflag:$0x2] =	sbarrier.arrive $0xFFFF  }
0x42: {  	[sflag:s0] =	ssyncadd.tile.s32 @!p0 $0x1;
	_ =	shalt  }
.Lfunc_end2:
_tile_overlayer_lowered:
.L_overlay_start_2:
0x43: {  	(tag) =	ssettag $0x2  }
0x44: {  	s0 =	rddreg [dreg:$0x0];
	s2 =	stileid.u32  }
0x45: {  	s1 =	rddreg [dreg:$0x1];
	p0 =	sne.s32 s2, $0x0  }
0x46: {  	s3 =	rddreg [dreg:$0x2];
	[bflag:$0x3] =	sbarrier.arrive $0xFFFF;
	s2 =	simm.s32 @!p0 $0x1C01  }
0x47: {  	[timem:s3], [sflag:s2] =	dma.local @!p0 [hbm:s0], s1  }
0x48: {  	s0 =	simm.s32 @!p0 $0x1  }
0x49: {  	_ =	swait.ge @!p0 [sflag:s0], s1  }
0x4a: {  	s1 =	ssub.s32 @!p0 $0x0, s1;
	[sflag:s0] =	ssyncset.done @!p0 $0x0  }
0x4b: {  	[sflag:s0] =	ssyncadd.s32 @!p0 s1  }
0x4c: {  	[bflag:$0x3] =	sbarrier.arrive $0xFFFF  }
0x4d: {  	_ =	shalt  }

</sc_bundles>
